<compile_context>
chip_gen: v7x
topology: tpu7x:2x2x1
jax: 0.10.2.dev20260603
libtpu: 0.0.44.dev20260713+nightly
codegen_flags: <defaults>
</compile_context>

<pallas_src>
import functools

import jax
import jax.numpy as jnp
from jax import lax
from jax.experimental import pallas as pl
from jax.experimental.pallas import tpu as pltpu
from jax.experimental.pallas import tpu_sc as plsc

D = 64
NC = 2
NS = 16
NW = NC * NS
C = 256
IDXW = 128
NG = C // IDXW


def _sc_gather(cat2, table, N):
    nchunk = N // (NW * C)
    mesh = plsc.VectorSubcoreMesh(core_axis_name="c", subcore_axis_name="s")

    @functools.partial(
        pl.kernel,
        out_type=jax.ShapeDtypeStruct((N, D), jnp.float32),
        mesh=mesh,
        compiler_params=pltpu.CompilerParams(use_tc_tiling_on_sc=False),
        scratch_types=(
            [pltpu.VMEM((NG, IDXW), jnp.int32) for _ in range(4)]
            + [pltpu.VMEM((C, D), jnp.float32) for _ in range(4)]
            + [pltpu.SemaphoreType.DMA for _ in range(2)]
            + [pltpu.SemaphoreType.DMA for _ in range(2)]
            + [pltpu.SemaphoreType.DMA for _ in range(4)]
        ),
    )
    def body(cat_hbm, table_hbm, out_hbm, *scratch):
        idxv = scratch[0:4]
        acc = scratch[4:8]
        sem_idx = scratch[8:10]
        sem_g = scratch[10:12]
        sem_out = scratch[12:16]

        cid = lax.axis_index("c")
        sid = lax.axis_index("s")
        wid = sid * NC + cid
        w0 = wid * nchunk

        def issue_idx(i, slot4, slot2):
            pltpu.async_copy(
                cat_hbm.at[pl.ds((w0 + i) * NG, NG)], idxv[slot4],
                sem_idx[slot2])

        def wait_idx(i, slot4, slot2):
            pltpu.make_async_copy(
                cat_hbm.at[pl.ds((w0 + i) * NG, NG)], idxv[slot4],
                sem_idx[slot2]).wait()

        def issue_gathers(slot4, slot2):
            for j in range(NG):
                pltpu.async_copy(
                    table_hbm.at[idxv[slot4].at[j]],
                    acc[slot4].at[pl.ds(j * IDXW, IDXW)],
                    sem_g[slot2])

        def wait_gathers(slot4, slot2):
            for j in range(NG):
                pltpu.make_async_copy(
                    table_hbm.at[idxv[slot4].at[j]],
                    acc[slot4].at[pl.ds(j * IDXW, IDXW)],
                    sem_g[slot2]).wait()

        def issue_out(i, slot4):
            pltpu.async_copy(
                acc[slot4], out_hbm.at[pl.ds((w0 + i) * C, C)],
                sem_out[slot4])

        def wait_out(i, slot4):
            pltpu.make_async_copy(
                acc[slot4], out_hbm.at[pl.ds((w0 + i) * C, C)],
                sem_out[slot4]).wait()

        issue_idx(0, 0, 0)
        issue_idx(1, 1, 1)
        wait_idx(0, 0, 0)
        issue_gathers(0, 0)

        def quad_body(i4, carry):
            for k in range(4):
                i = i4 * 4 + k
                s2, s2n = k % 2, (k + 1) % 2
                s4, s4n, s4nn = k, (k + 1) % 4, (k + 2) % 4

                @pl.when(i >= 3)
                def _():
                    wait_out(i - 3, s4n)

                @pl.when(i + 2 < nchunk)
                def _():
                    issue_idx(i + 2, s4nn, s2)

                @pl.when(i + 1 < nchunk)
                def _():
                    wait_idx(i + 1, s4n, s2n)
                    issue_gathers(s4n, s2n)

                wait_gathers(s4, s2)
                issue_out(i, s4)
            return carry

        lax.fori_loop(0, nchunk // 4, quad_body, 0)

        for t in (nchunk - 3, nchunk - 2, nchunk - 1):
            wait_out(t, t % 4)

    return body(cat2, table)


def _tc_masked_add(xv, emb3, mskv, S, B):
    SB = S // 8
    JB = B // 128
    nblk = SB * JB * 8

    def body(emb_ref, x_ref, m_ref, o_ref):
        ident = (lax.broadcasted_iota(jnp.int32, (128, 128), 0)
                 == lax.broadcasted_iota(jnp.int32, (128, 128), 1)
                 ).astype(jnp.float32)
        for s8 in range(8):
            e = emb_ref[0, pl.ds(s8 * 128, 128), :]
            keep = (m_ref[0, s8] == 0).astype(jnp.float32)
            em = e * keep[:, None]
            et = lax.dot_general(
                em, ident, (((0,), (0,)), ((), ())),
                preferred_element_type=jnp.float32)
            x = x_ref[s8, :, 0, :, :].reshape(D, 128)
            o_ref[s8, :, 0, :, :] = (x + et).reshape(8, 8, 128)

    def emb_map(i):
        return (i, 0, 0)

    def x_map(i):
        return (i // JB, 0, i % JB, 0, 0)

    grid = (nblk // 8,)
    return pl.pallas_call(
        body,
        grid=grid,
        in_specs=[
            pl.BlockSpec((1, 1024, D), emb_map),
            pl.BlockSpec((8, 8, 1, 8, 128), x_map),
            pl.BlockSpec((1, 8, 128), emb_map),
        ],
        out_specs=pl.BlockSpec((8, 8, 1, 8, 128), x_map),
        out_shape=jax.ShapeDtypeStruct((S, 8, JB, 8, 128), jnp.float32),
    )(emb3, xv, mskv)


def kernel(x, categories, mask_positions, table):
    B, S, d = x.shape
    N = B * S
    SB, JB = S // 8, B // 128

    xv = (x.transpose(1, 2, 0)
          .reshape(S, 8, 8, JB, 128)
          .transpose(0, 1, 3, 2, 4))
    cat2 = (categories.transpose(1, 0)
            .reshape(SB, 8, JB, 128)
            .transpose(0, 2, 1, 3)
            .reshape(N // 128, 128))
    mskv = (mask_positions.reshape(B, S)
            .transpose(1, 0)
            .reshape(SB, 8, JB, 128)
            .transpose(0, 2, 1, 3)
            .reshape(N // 1024, 8, 128))

    emb = _sc_gather(cat2, table, N)
    emb3 = emb.reshape(N // 1024, 1024, d)

    out5 = _tc_masked_add(xv, emb3, mskv, S, B)
    out = (out5.transpose(0, 1, 3, 2, 4)
           .reshape(S, d, B)
           .transpose(2, 0, 1))
    return out

# --- scband reference (transcript-rebuilt; emitter-appended) ---
"""Pipeline reference for scband-category-adder-3375844295052 (READ-ONLY COPY).

The authoritative reference and input builder live on the scoring server;
editing this copy changes nothing except your own understanding.
"""

import jax, jax.numpy as jnp
import numpy as np

CATEGORIES_COUNT = 1000000
CATEGORY_DIM = 64
BATCH = 4096
SEQ = 200


def setup_inputs(seed: int = 0) -> dict:
    key = jax.random.key(seed)
    k1, k2, k3, k4 = jax.random.split(key, 4)
    x = jax.random.normal(k1, (BATCH, SEQ, CATEGORY_DIM), dtype=jnp.float32)
    categories = jax.random.randint(k2, (BATCH, SEQ), 0, CATEGORIES_COUNT, dtype=jnp.int32)
    mask_positions = jax.random.randint(k3, (BATCH, SEQ, 1), 0, 2, dtype=jnp.int32)
    # learned category embedding table (original initializer is zeros; use small
    # random values so the computation is numerically non-trivial)
    table = jax.random.normal(k4, (CATEGORIES_COUNT, CATEGORY_DIM), dtype=jnp.float32) * 0.02
    return {"x": x, "categories": categories, "mask_positions": mask_positions, "table": table}


def reference(x, categories, mask_positions, table):
    # utils.get_category_embedding: embedding lookup of category ids
    embedded = jnp.take(table, categories, axis=0)  # [B, S, D]
    # with_mask_category_embedding == False and mask_positions is not None:
    # place a zero vector on masked positions
    embedded = jnp.where(mask_positions.astype(bool), jnp.zeros_like(embedded), embedded)
    # tf.keras.layers.add([inputs, embedded_categories])
    return x + embedded

if __name__ == "__main__":
    import jax
    _d = setup_inputs()
    print(jax.jit(kernel)(*tuple(_d.values())))

</pallas_src>

<mosaic_0001>
#map = affine_map<(d0, d1) -> (0, 0)>
module attributes {stable_mosaic.version = 14 : i64} {
  func.func @body(%arg0: i32, %arg1: i32, %arg2: memref<6400x128xi32, #tpu.memory_space<hbm>>, %arg3: memref<1000000x64xf32, #tpu.memory_space<hbm>>, %arg4: memref<819200x64xf32, #tpu.memory_space<hbm>>, %arg5: memref<2x128xi32, #tpu.memory_space<vmem>>, %arg6: memref<2x128xi32, #tpu.memory_space<vmem>>, %arg7: memref<2x128xi32, #tpu.memory_space<vmem>>, %arg8: memref<2x128xi32, #tpu.memory_space<vmem>>, %arg9: memref<256x64xf32, #tpu.memory_space<vmem>>, %arg10: memref<256x64xf32, #tpu.memory_space<vmem>>, %arg11: memref<256x64xf32, #tpu.memory_space<vmem>>, %arg12: memref<256x64xf32, #tpu.memory_space<vmem>>, %arg13: memref<!tpu.dma_semaphore, #tpu.memory_space<semaphore_mem>>, %arg14: memref<!tpu.dma_semaphore, #tpu.memory_space<semaphore_mem>>, %arg15: memref<!tpu.dma_semaphore, #tpu.memory_space<semaphore_mem>>, %arg16: memref<!tpu.dma_semaphore, #tpu.memory_space<semaphore_mem>>, %arg17: memref<!tpu.dma_semaphore, #tpu.memory_space<semaphore_mem>>, %arg18: memref<!tpu.dma_semaphore, #tpu.memory_space<semaphore_mem>>, %arg19: memref<!tpu.dma_semaphore, #tpu.memory_space<semaphore_mem>>, %arg20: memref<!tpu.dma_semaphore, #tpu.memory_space<semaphore_mem>>) attributes {dimension_semantics = [#tpu.dimension_semantics<core_parallel>, #tpu.dimension_semantics<subcore_parallel>], iteration_bounds = array<i64: 2, 16>, scalar_prefetch = 0 : i64, scratch_operands = 16 : i64, tpu.core_type = #tpu.core_type<sc_vector_subcore>, window_params = [{transform_indices = #map}, {transform_indices = #map}, {transform_indices = #map}]} {
    %mul3A = arith.constant 2 : i32
    %mul3A_0 = arith.muli %arg1, %mul3A : i32
    %add3A = arith.addi %mul3A_0, %arg0 : i32
    %mul3A_1 = arith.constant 100 : i32
    %mul3A_2 = arith.muli %add3A, %mul3A_1 : i32
    %add3A_3 = arith.constant 0 : i32
    %add3A_4 = arith.addi %mul3A_2, %add3A_3 : i32
    %mul3A_5 = arith.constant 2 : i32
    %mul3A_6 = arith.muli %add3A_4, %mul3A_5 : i32
    %dma_start3A = arith.constant 0 : i32
    %dma_start3A_7 = tpu.memref_slice %arg2[%mul3A_6, %dma_start3A] : memref<6400x128xi32, #tpu.memory_space<hbm>> -> memref<2x128xi32, #tpu.memory_space<hbm>>
    %dma_start3A_8 = arith.constant 0 : i32
    %dma_start3A_9 = tpu.memref_slice %arg2[%mul3A_6, %dma_start3A_8] : memref<6400x128xi32, #tpu.memory_space<hbm>> -> memref<2x128xi32, #tpu.memory_space<hbm>>
    tpu.enqueue_dma source(%dma_start3A_9 : memref<2x128xi32, #tpu.memory_space<hbm>>) target(%arg5 : memref<2x128xi32, #tpu.memory_space<vmem>>) target_semaphore(%arg13 : memref<!tpu.dma_semaphore, #tpu.memory_space<semaphore_mem>>)
    %add3A_10 = arith.constant 1 : i32
    %add3A_11 = arith.addi %mul3A_2, %add3A_10 : i32
    %mul3A_12 = arith.constant 2 : i32
    %mul3A_13 = arith.muli %add3A_11, %mul3A_12 : i32
    %dma_start3A_14 = arith.constant 0 : i32
    %dma_start3A_15 = tpu.memref_slice %arg2[%mul3A_13, %dma_start3A_14] : memref<6400x128xi32, #tpu.memory_space<hbm>> -> memref<2x128xi32, #tpu.memory_space<hbm>>
    %dma_start3A_16 = arith.constant 0 : i32
    %dma_start3A_17 = tpu.memref_slice %arg2[%mul3A_13, %dma_start3A_16] : memref<6400x128xi32, #tpu.memory_space<hbm>> -> memref<2x128xi32, #tpu.memory_space<hbm>>
    tpu.enqueue_dma source(%dma_start3A_17 : memref<2x128xi32, #tpu.memory_space<hbm>>) target(%arg6 : memref<2x128xi32, #tpu.memory_space<vmem>>) target_semaphore(%arg14 : memref<!tpu.dma_semaphore, #tpu.memory_space<semaphore_mem>>)
    %add3A_18 = arith.constant 0 : i32
    %add3A_19 = arith.addi %mul3A_2, %add3A_18 : i32
    %mul3A_20 = arith.constant 2 : i32
    %mul3A_21 = arith.muli %add3A_19, %mul3A_20 : i32
    %dma_wait3A = arith.constant 0 : i32
    %dma_wait3A_22 = tpu.memref_slice %arg2[%mul3A_21, %dma_wait3A] : memref<6400x128xi32, #tpu.memory_space<hbm>> -> memref<2x128xi32, #tpu.memory_space<hbm>>
    %dma_wait3A_23 = arith.constant 0 : i32
    %dma_wait3A_24 = tpu.memref_slice %arg2[%mul3A_21, %dma_wait3A_23] : memref<6400x128xi32, #tpu.memory_space<hbm>> -> memref<2x128xi32, #tpu.memory_space<hbm>>
    tpu.wait_dma2 semaphore(%arg13 : memref<!tpu.dma_semaphore, #tpu.memory_space<semaphore_mem>>) src(%dma_wait3A_24 : memref<2x128xi32, #tpu.memory_space<hbm>>) dst(%arg5 : memref<2x128xi32, #tpu.memory_space<vmem>>)
    %dma_start3A_25 = arith.constant 0 : i32
    %dma_start3A_26 = arith.constant 0 : i32
    %dma_start3A_27 = arith.constant 0 : i32
    %dma_start3A_28 = tpu.memref_slice %arg9[%dma_start3A_26, %dma_start3A_27] : memref<256x64xf32, #tpu.memory_space<vmem>> -> memref<128x64xf32, #tpu.memory_space<vmem>>
    %dma_start3A_29 = arith.constant 0 : i32
    %dma_start3A_30 = tpu.memref_slice %arg5[%dma_start3A_25, %dma_start3A_29] : memref<2x128xi32, #tpu.memory_space<vmem>> -> memref<1x128xi32, #tpu.memory_space<vmem>>
    %dma_start3A_31 = tpu.memref_squeeze %dma_start3A_30 : memref<1x128xi32, #tpu.memory_space<vmem>> -> memref<128xi32, #tpu.memory_space<vmem>>
    %dma_start3A_32 = arith.constant 0 : i32
    %dma_start3A_33 = arith.constant 0 : i32
    %dma_start3A_34 = tpu.memref_slice %arg3[%dma_start3A_32, %dma_start3A_33] : memref<1000000x64xf32, #tpu.memory_space<hbm>> -> memref<1000000x64xf32, #tpu.memory_space<hbm>>
    tpu.enqueue_indirect_dma source(%dma_start3A_34 : memref<1000000x64xf32, #tpu.memory_space<hbm>>) target(%dma_start3A_28 : memref<128x64xf32, #tpu.memory_space<vmem>>) offsets(%dma_start3A_31 : memref<128xi32, #tpu.memory_space<vmem>>) semaphore(%arg15 : memref<!tpu.dma_semaphore, #tpu.memory_space<semaphore_mem>>)
    %dma_start3A_35 = arith.constant 1 : i32
    %dma_start3A_36 = arith.constant 128 : i32
    %dma_start3A_37 = arith.constant 0 : i32
    %dma_start3A_38 = tpu.memref_slice %arg9[%dma_start3A_36, %dma_start3A_37] : memref<256x64xf32, #tpu.memory_space<vmem>> -> memref<128x64xf32, #tpu.memory_space<vmem>>
    %dma_start3A_39 = arith.constant 0 : i32
    %dma_start3A_40 = tpu.memref_slice %arg5[%dma_start3A_35, %dma_start3A_39] : memref<2x128xi32, #tpu.memory_space<vmem>> -> memref<1x128xi32, #tpu.memory_space<vmem>>
    %dma_start3A_41 = tpu.memref_squeeze %dma_start3A_40 : memref<1x128xi32, #tpu.memory_space<vmem>> -> memref<128xi32, #tpu.memory_space<vmem>>
    %dma_start3A_42 = arith.constant 0 : i32
    %dma_start3A_43 = arith.constant 0 : i32
    %dma_start3A_44 = tpu.memref_slice %arg3[%dma_start3A_42, %dma_start3A_43] : memref<1000000x64xf32, #tpu.memory_space<hbm>> -> memref<1000000x64xf32, #tpu.memory_space<hbm>>
    tpu.enqueue_indirect_dma source(%dma_start3A_44 : memref<1000000x64xf32, #tpu.memory_space<hbm>>) target(%dma_start3A_38 : memref<128x64xf32, #tpu.memory_space<vmem>>) offsets(%dma_start3A_41 : memref<128xi32, #tpu.memory_space<vmem>>) semaphore(%arg15 : memref<!tpu.dma_semaphore, #tpu.memory_space<semaphore_mem>>)
    %scan3A = arith.constant 0 : i32
    %scan3A_45 = arith.constant 0 : i32
    %scan3A_46 = arith.constant 25 : i32
    %scan3A_47 = arith.addi %scan3A_45, %scan3A_46 : i32
    %scan3A_48 = arith.constant 1 : i32
    scf.for %scan3A_74 = %scan3A_45 to %scan3A_47 step %scan3A_48  : i32 {
      %mul3A_75 = arith.constant 4 : i32
      %mul3A_76 = arith.muli %scan3A_74, %mul3A_75 : i32
      %add3A_77 = arith.constant 0 : i32
      %add3A_78 = arith.addi %mul3A_76, %add3A_77 : i32
      %ge3A = arith.constant 3 : i32
      %ge3A_79 = arith.cmpi sge, %add3A_78, %ge3A : i32
      %convert_element_type3A = arith.extui %ge3A_79 : i1 to i32
      %cond3A = arith.constant 0 : i32
      %cond3A_80 = arith.cmpi ne, %convert_element_type3A, %cond3A : i32
      scf.if %cond3A_80 {
        %sub3A = arith.constant 3 : i32
        %sub3A_271 = arith.subi %add3A_78, %sub3A : i32
        %add3A_272 = arith.addi %mul3A_2, %sub3A_271 : i32
        %mul3A_273 = arith.constant 256 : i32
        %mul3A_274 = arith.muli %add3A_272, %mul3A_273 : i32
        %dma_wait3A_275 = arith.constant 0 : i32
        %dma_wait3A_276 = tpu.memref_slice %arg4[%mul3A_274, %dma_wait3A_275] : memref<819200x64xf32, #tpu.memory_space<hbm>> -> memref<256x64xf32, #tpu.memory_space<hbm>>
        %dma_wait3A_277 = arith.constant 0 : i32
        %dma_wait3A_278 = tpu.memref_slice %arg4[%mul3A_274, %dma_wait3A_277] : memref<819200x64xf32, #tpu.memory_space<hbm>> -> memref<256x64xf32, #tpu.memory_space<hbm>>
        tpu.wait_dma2 semaphore(%arg18 : memref<!tpu.dma_semaphore, #tpu.memory_space<semaphore_mem>>) src(%arg10 : memref<256x64xf32, #tpu.memory_space<vmem>>) dst(%dma_wait3A_278 : memref<256x64xf32, #tpu.memory_space<hbm>>)
      } else {
      }
      %add3A_81 = arith.constant 2 : i32
      %add3A_82 = arith.addi %add3A_78, %add3A_81 : i32
      %lt3A = arith.constant 100 : i32
      %lt3A_83 = arith.cmpi slt, %add3A_82, %lt3A : i32
      %convert_element_type3A_84 = arith.extui %lt3A_83 : i1 to i32
      %cond3A_85 = arith.constant 0 : i32
      %cond3A_86 = arith.cmpi ne, %convert_element_type3A_84, %cond3A_85 : i32
      scf.if %cond3A_86 {
        %add3A_271 = arith.constant 2 : i32
        %add3A_272 = arith.addi %add3A_78, %add3A_271 : i32
        %add3A_273 = arith.addi %mul3A_2, %add3A_272 : i32
        %mul3A_274 = arith.constant 2 : i32
        %mul3A_275 = arith.muli %add3A_273, %mul3A_274 : i32
        %dma_start3A_276 = arith.constant 0 : i32
        %dma_start3A_277 = tpu.memref_slice %arg2[%mul3A_275, %dma_start3A_276] : memref<6400x128xi32, #tpu.memory_space<hbm>> -> memref<2x128xi32, #tpu.memory_space<hbm>>
        %dma_start3A_278 = arith.constant 0 : i32
        %dma_start3A_279 = tpu.memref_slice %arg2[%mul3A_275, %dma_start3A_278] : memref<6400x128xi32, #tpu.memory_space<hbm>> -> memref<2x128xi32, #tpu.memory_space<hbm>>
        tpu.enqueue_dma source(%dma_start3A_279 : memref<2x128xi32, #tpu.memory_space<hbm>>) target(%arg7 : memref<2x128xi32, #tpu.memory_space<vmem>>) target_semaphore(%arg13 : memref<!tpu.dma_semaphore, #tpu.memory_space<semaphore_mem>>)
      } else {
      }
      %add3A_87 = arith.constant 1 : i32
      %add3A_88 = arith.addi %add3A_78, %add3A_87 : i32
      %lt3A_89 = arith.constant 100 : i32
      %lt3A_90 = arith.cmpi slt, %add3A_88, %lt3A_89 : i32
      %convert_element_type3A_91 = arith.extui %lt3A_90 : i1 to i32
      %cond3A_92 = arith.constant 0 : i32
      %cond3A_93 = arith.cmpi ne, %convert_element_type3A_91, %cond3A_92 : i32
      scf.if %cond3A_93 {
        %add3A_271 = arith.constant 1 : i32
        %add3A_272 = arith.addi %add3A_78, %add3A_271 : i32
        %add3A_273 = arith.addi %mul3A_2, %add3A_272 : i32
        %mul3A_274 = arith.constant 2 : i32
        %mul3A_275 = arith.muli %add3A_273, %mul3A_274 : i32
        %dma_wait3A_276 = arith.constant 0 : i32
        %dma_wait3A_277 = tpu.memref_slice %arg2[%mul3A_275, %dma_wait3A_276] : memref<6400x128xi32, #tpu.memory_space<hbm>> -> memref<2x128xi32, #tpu.memory_space<hbm>>
        %dma_wait3A_278 = arith.constant 0 : i32
        %dma_wait3A_279 = tpu.memref_slice %arg2[%mul3A_275, %dma_wait3A_278] : memref<6400x128xi32, #tpu.memory_space<hbm>> -> memref<2x128xi32, #tpu.memory_space<hbm>>
        tpu.wait_dma2 semaphore(%arg14 : memref<!tpu.dma_semaphore, #tpu.memory_space<semaphore_mem>>) src(%dma_wait3A_279 : memref<2x128xi32, #tpu.memory_space<hbm>>) dst(%arg6 : memref<2x128xi32, #tpu.memory_space<vmem>>)
        %dma_start3A_280 = arith.constant 0 : i32
        %dma_start3A_281 = arith.constant 0 : i32
        %dma_start3A_282 = arith.constant 0 : i32
        %dma_start3A_283 = tpu.memref_slice %arg10[%dma_start3A_281, %dma_start3A_282] : memref<256x64xf32, #tpu.memory_space<vmem>> -> memref<128x64xf32, #tpu.memory_space<vmem>>
        %dma_start3A_284 = arith.constant 0 : i32
        %dma_start3A_285 = tpu.memref_slice %arg6[%dma_start3A_280, %dma_start3A_284] : memref<2x128xi32, #tpu.memory_space<vmem>> -> memref<1x128xi32, #tpu.memory_space<vmem>>
        %dma_start3A_286 = tpu.memref_squeeze %dma_start3A_285 : memref<1x128xi32, #tpu.memory_space<vmem>> -> memref<128xi32, #tpu.memory_space<vmem>>
        %dma_start3A_287 = arith.constant 0 : i32
        %dma_start3A_288 = arith.constant 0 : i32
        %dma_start3A_289 = tpu.memref_slice %arg3[%dma_start3A_287, %dma_start3A_288] : memref<1000000x64xf32, #tpu.memory_space<hbm>> -> memref<1000000x64xf32, #tpu.memory_space<hbm>>
        tpu.enqueue_indirect_dma source(%dma_start3A_289 : memref<1000000x64xf32, #tpu.memory_space<hbm>>) target(%dma_start3A_283 : memref<128x64xf32, #tpu.memory_space<vmem>>) offsets(%dma_start3A_286 : memref<128xi32, #tpu.memory_space<vmem>>) semaphore(%arg16 : memref<!tpu.dma_semaphore, #tpu.memory_space<semaphore_mem>>)
        %dma_start3A_290 = arith.constant 1 : i32
        %dma_start3A_291 = arith.constant 128 : i32
        %dma_start3A_292 = arith.constant 0 : i32
        %dma_start3A_293 = tpu.memref_slice %arg10[%dma_start3A_291, %dma_start3A_292] : memref<256x64xf32, #tpu.memory_space<vmem>> -> memref<128x64xf32, #tpu.memory_space<vmem>>
        %dma_start3A_294 = arith.constant 0 : i32
        %dma_start3A_295 = tpu.memref_slice %arg6[%dma_start3A_290, %dma_start3A_294] : memref<2x128xi32, #tpu.memory_space<vmem>> -> memref<1x128xi32, #tpu.memory_space<vmem>>
        %dma_start3A_296 = tpu.memref_squeeze %dma_start3A_295 : memref<1x128xi32, #tpu.memory_space<vmem>> -> memref<128xi32, #tpu.memory_space<vmem>>
        %dma_start3A_297 = arith.constant 0 : i32
        %dma_start3A_298 = arith.constant 0 : i32
        %dma_start3A_299 = tpu.memref_slice %arg3[%dma_start3A_297, %dma_start3A_298] : memref<1000000x64xf32, #tpu.memory_space<hbm>> -> memref<1000000x64xf32, #tpu.memory_space<hbm>>
        tpu.enqueue_indirect_dma source(%dma_start3A_299 : memref<1000000x64xf32, #tpu.memory_space<hbm>>) target(%dma_start3A_293 : memref<128x64xf32, #tpu.memory_space<vmem>>) offsets(%dma_start3A_296 : memref<128xi32, #tpu.memory_space<vmem>>) semaphore(%arg16 : memref<!tpu.dma_semaphore, #tpu.memory_space<semaphore_mem>>)
      } else {
      }
      %dma_wait3A_94 = arith.constant 0 : i32
      %dma_wait3A_95 = arith.constant 0 : i32
      %dma_wait3A_96 = arith.constant 0 : i32
      %dma_wait3A_97 = tpu.memref_slice %arg9[%dma_wait3A_95, %dma_wait3A_96] : memref<256x64xf32, #tpu.memory_space<vmem>> -> memref<128x64xf32, #tpu.memory_space<vmem>>
      %dma_wait3A_98 = arith.constant 0 : i32
      %dma_wait3A_99 = tpu.memref_slice %arg5[%dma_wait3A_94, %dma_wait3A_98] : memref<2x128xi32, #tpu.memory_space<vmem>> -> memref<1x128xi32, #tpu.memory_space<vmem>>
      %dma_wait3A_100 = tpu.memref_squeeze %dma_wait3A_99 : memref<1x128xi32, #tpu.memory_space<vmem>> -> memref<128xi32, #tpu.memory_space<vmem>>
      %dma_wait3A_101 = arith.constant 0 : i32
      %dma_wait3A_102 = arith.constant 0 : i32
      %dma_wait3A_103 = tpu.memref_slice %arg3[%dma_wait3A_101, %dma_wait3A_102] : memref<1000000x64xf32, #tpu.memory_space<hbm>> -> memref<1000000x64xf32, #tpu.memory_space<hbm>>
      tpu.wait_indirect_dma semaphore(%arg15 : memref<!tpu.dma_semaphore, #tpu.memory_space<semaphore_mem>>) src(%dma_wait3A_103 : memref<1000000x64xf32, #tpu.memory_space<hbm>>) dst(%dma_wait3A_97 : memref<128x64xf32, #tpu.memory_space<vmem>>)
      %dma_wait3A_104 = arith.constant 1 : i32
      %dma_wait3A_105 = arith.constant 128 : i32
      %dma_wait3A_106 = arith.constant 0 : i32
      %dma_wait3A_107 = tpu.memref_slice %arg9[%dma_wait3A_105, %dma_wait3A_106] : memref<256x64xf32, #tpu.memory_space<vmem>> -> memref<128x64xf32, #tpu.memory_space<vmem>>
      %dma_wait3A_108 = arith.constant 0 : i32
      %dma_wait3A_109 = tpu.memref_slice %arg5[%dma_wait3A_104, %dma_wait3A_108] : memref<2x128xi32, #tpu.memory_space<vmem>> -> memref<1x128xi32, #tpu.memory_space<vmem>>
      %dma_wait3A_110 = tpu.memref_squeeze %dma_wait3A_109 : memref<1x128xi32, #tpu.memory_space<vmem>> -> memref<128xi32, #tpu.memory_space<vmem>>
      %dma_wait3A_111 = arith.constant 0 : i32
      %dma_wait3A_112 = arith.constant 0 : i32
      %dma_wait3A_113 = tpu.memref_slice %arg3[%dma_wait3A_111, %dma_wait3A_112] : memref<1000000x64xf32, #tpu.memory_space<hbm>> -> memref<1000000x64xf32, #tpu.memory_space<hbm>>
      tpu.wait_indirect_dma semaphore(%arg15 : memref<!tpu.dma_semaphore, #tpu.memory_space<semaphore_mem>>) src(%dma_wait3A_113 : memref<1000000x64xf32, #tpu.memory_space<hbm>>) dst(%dma_wait3A_107 : memref<128x64xf32, #tpu.memory_space<vmem>>)
      %add3A_114 = arith.addi %mul3A_2, %add3A_78 : i32
      %mul3A_115 = arith.constant 256 : i32
      %mul3A_116 = arith.muli %add3A_114, %mul3A_115 : i32
      %dma_start3A_117 = arith.constant 0 : i32
      %dma_start3A_118 = tpu.memref_slice %arg4[%mul3A_116, %dma_start3A_117] : memref<819200x64xf32, #tpu.memory_space<hbm>> -> memref<256x64xf32, #tpu.memory_space<hbm>>
      %dma_start3A_119 = arith.constant 0 : i32
      %dma_start3A_120 = tpu.memref_slice %arg4[%mul3A_116, %dma_start3A_119] : memref<819200x64xf32, #tpu.memory_space<hbm>> -> memref<256x64xf32, #tpu.memory_space<hbm>>
      tpu.enqueue_dma source(%arg9 : memref<256x64xf32, #tpu.memory_space<vmem>>) target(%dma_start3A_120 : memref<256x64xf32, #tpu.memory_space<hbm>>) target_semaphore(%arg17 : memref<!tpu.dma_semaphore, #tpu.memory_space<semaphore_mem>>)
      %mul3A_121 = arith.constant 4 : i32
      %mul3A_122 = arith.muli %scan3A_74, %mul3A_121 : i32
      %add3A_123 = arith.constant 1 : i32
      %add3A_124 = arith.addi %mul3A_122, %add3A_123 : i32
      %ge3A_125 = arith.constant 3 : i32
      %ge3A_126 = arith.cmpi sge, %add3A_124, %ge3A_125 : i32
      %convert_element_type3A_127 = arith.extui %ge3A_126 : i1 to i32
      %cond3A_128 = arith.constant 0 : i32
      %cond3A_129 = arith.cmpi ne, %convert_element_type3A_127, %cond3A_128 : i32
      scf.if %cond3A_129 {
        %sub3A = arith.constant 3 : i32
        %sub3A_271 = arith.subi %add3A_124, %sub3A : i32
        %add3A_272 = arith.addi %mul3A_2, %sub3A_271 : i32
        %mul3A_273 = arith.constant 256 : i32
        %mul3A_274 = arith.muli %add3A_272, %mul3A_273 : i32
        %dma_wait3A_275 = arith.constant 0 : i32
        %dma_wait3A_276 = tpu.memref_slice %arg4[%mul3A_274, %dma_wait3A_275] : memref<819200x64xf32, #tpu.memory_space<hbm>> -> memref<256x64xf32, #tpu.memory_space<hbm>>
        %dma_wait3A_277 = arith.constant 0 : i32
        %dma_wait3A_278 = tpu.memref_slice %arg4[%mul3A_274, %dma_wait3A_277] : memref<819200x64xf32, #tpu.memory_space<hbm>> -> memref<256x64xf32, #tpu.memory_space<hbm>>
        tpu.wait_dma2 semaphore(%arg19 : memref<!tpu.dma_semaphore, #tpu.memory_space<semaphore_mem>>) src(%arg11 : memref<256x64xf32, #tpu.memory_space<vmem>>) dst(%dma_wait3A_278 : memref<256x64xf32, #tpu.memory_space<hbm>>)
      } else {
      }
      %add3A_130 = arith.constant 2 : i32
      %add3A_131 = arith.addi %add3A_124, %add3A_130 : i32
      %lt3A_132 = arith.constant 100 : i32
      %lt3A_133 = arith.cmpi slt, %add3A_131, %lt3A_132 : i32
      %convert_element_type3A_134 = arith.extui %lt3A_133 : i1 to i32
      %cond3A_135 = arith.constant 0 : i32
      %cond3A_136 = arith.cmpi ne, %convert_element_type3A_134, %cond3A_135 : i32
      scf.if %cond3A_136 {
        %add3A_271 = arith.constant 2 : i32
        %add3A_272 = arith.addi %add3A_124, %add3A_271 : i32
        %add3A_273 = arith.addi %mul3A_2, %add3A_272 : i32
        %mul3A_274 = arith.constant 2 : i32
        %mul3A_275 = arith.muli %add3A_273, %mul3A_274 : i32
        %dma_start3A_276 = arith.constant 0 : i32
        %dma_start3A_277 = tpu.memref_slice %arg2[%mul3A_275, %dma_start3A_276] : memref<6400x128xi32, #tpu.memory_space<hbm>> -> memref<2x128xi32, #tpu.memory_space<hbm>>
        %dma_start3A_278 = arith.constant 0 : i32
        %dma_start3A_279 = tpu.memref_slice %arg2[%mul3A_275, %dma_start3A_278] : memref<6400x128xi32, #tpu.memory_space<hbm>> -> memref<2x128xi32, #tpu.memory_space<hbm>>
        tpu.enqueue_dma source(%dma_start3A_279 : memref<2x128xi32, #tpu.memory_space<hbm>>) target(%arg8 : memref<2x128xi32, #tpu.memory_space<vmem>>) target_semaphore(%arg14 : memref<!tpu.dma_semaphore, #tpu.memory_space<semaphore_mem>>)
      } else {
      }
      %add3A_137 = arith.constant 1 : i32
      %add3A_138 = arith.addi %add3A_124, %add3A_137 : i32
      %lt3A_139 = arith.constant 100 : i32
      %lt3A_140 = arith.cmpi slt, %add3A_138, %lt3A_139 : i32
      %convert_element_type3A_141 = arith.extui %lt3A_140 : i1 to i32
      %cond3A_142 = arith.constant 0 : i32
      %cond3A_143 = arith.cmpi ne, %convert_element_type3A_141, %cond3A_142 : i32
      scf.if %cond3A_143 {
        %add3A_271 = arith.constant 1 : i32
        %add3A_272 = arith.addi %add3A_124, %add3A_271 : i32
        %add3A_273 = arith.addi %mul3A_2, %add3A_272 : i32
        %mul3A_274 = arith.constant 2 : i32
        %mul3A_275 = arith.muli %add3A_273, %mul3A_274 : i32
        %dma_wait3A_276 = arith.constant 0 : i32
        %dma_wait3A_277 = tpu.memref_slice %arg2[%mul3A_275, %dma_wait3A_276] : memref<6400x128xi32, #tpu.memory_space<hbm>> -> memref<2x128xi32, #tpu.memory_space<hbm>>
        %dma_wait3A_278 = arith.constant 0 : i32
        %dma_wait3A_279 = tpu.memref_slice %arg2[%mul3A_275, %dma_wait3A_278] : memref<6400x128xi32, #tpu.memory_space<hbm>> -> memref<2x128xi32, #tpu.memory_space<hbm>>
        tpu.wait_dma2 semaphore(%arg13 : memref<!tpu.dma_semaphore, #tpu.memory_space<semaphore_mem>>) src(%dma_wait3A_279 : memref<2x128xi32, #tpu.memory_space<hbm>>) dst(%arg7 : memref<2x128xi32, #tpu.memory_space<vmem>>)
        %dma_start3A_280 = arith.constant 0 : i32
        %dma_start3A_281 = arith.constant 0 : i32
        %dma_start3A_282 = arith.constant 0 : i32
        %dma_start3A_283 = tpu.memref_slice %arg11[%dma_start3A_281, %dma_start3A_282] : memref<256x64xf32, #tpu.memory_space<vmem>> -> memref<128x64xf32, #tpu.memory_space<vmem>>
        %dma_start3A_284 = arith.constant 0 : i32
        %dma_start3A_285 = tpu.memref_slice %arg7[%dma_start3A_280, %dma_start3A_284] : memref<2x128xi32, #tpu.memory_space<vmem>> -> memref<1x128xi32, #tpu.memory_space<vmem>>
        %dma_start3A_286 = tpu.memref_squeeze %dma_start3A_285 : memref<1x128xi32, #tpu.memory_space<vmem>> -> memref<128xi32, #tpu.memory_space<vmem>>
        %dma_start3A_287 = arith.constant 0 : i32
        %dma_start3A_288 = arith.constant 0 : i32
        %dma_start3A_289 = tpu.memref_slice %arg3[%dma_start3A_287, %dma_start3A_288] : memref<1000000x64xf32, #tpu.memory_space<hbm>> -> memref<1000000x64xf32, #tpu.memory_space<hbm>>
        tpu.enqueue_indirect_dma source(%dma_start3A_289 : memref<1000000x64xf32, #tpu.memory_space<hbm>>) target(%dma_start3A_283 : memref<128x64xf32, #tpu.memory_space<vmem>>) offsets(%dma_start3A_286 : memref<128xi32, #tpu.memory_space<vmem>>) semaphore(%arg15 : memref<!tpu.dma_semaphore, #tpu.memory_space<semaphore_mem>>)
        %dma_start3A_290 = arith.constant 1 : i32
        %dma_start3A_291 = arith.constant 128 : i32
        %dma_start3A_292 = arith.constant 0 : i32
        %dma_start3A_293 = tpu.memref_slice %arg11[%dma_start3A_291, %dma_start3A_292] : memref<256x64xf32, #tpu.memory_space<vmem>> -> memref<128x64xf32, #tpu.memory_space<vmem>>
        %dma_start3A_294 = arith.constant 0 : i32
        %dma_start3A_295 = tpu.memref_slice %arg7[%dma_start3A_290, %dma_start3A_294] : memref<2x128xi32, #tpu.memory_space<vmem>> -> memref<1x128xi32, #tpu.memory_space<vmem>>
        %dma_start3A_296 = tpu.memref_squeeze %dma_start3A_295 : memref<1x128xi32, #tpu.memory_space<vmem>> -> memref<128xi32, #tpu.memory_space<vmem>>
        %dma_start3A_297 = arith.constant 0 : i32
        %dma_start3A_298 = arith.constant 0 : i32
        %dma_start3A_299 = tpu.memref_slice %arg3[%dma_start3A_297, %dma_start3A_298] : memref<1000000x64xf32, #tpu.memory_space<hbm>> -> memref<1000000x64xf32, #tpu.memory_space<hbm>>
        tpu.enqueue_indirect_dma source(%dma_start3A_299 : memref<1000000x64xf32, #tpu.memory_space<hbm>>) target(%dma_start3A_293 : memref<128x64xf32, #tpu.memory_space<vmem>>) offsets(%dma_start3A_296 : memref<128xi32, #tpu.memory_space<vmem>>) semaphore(%arg15 : memref<!tpu.dma_semaphore, #tpu.memory_space<semaphore_mem>>)
      } else {
      }
      %dma_wait3A_144 = arith.constant 0 : i32
      %dma_wait3A_145 = arith.constant 0 : i32
      %dma_wait3A_146 = arith.constant 0 : i32
      %dma_wait3A_147 = tpu.memref_slice %arg10[%dma_wait3A_145, %dma_wait3A_146] : memref<256x64xf32, #tpu.memory_space<vmem>> -> memref<128x64xf32, #tpu.memory_space<vmem>>
      %dma_wait3A_148 = arith.constant 0 : i32
      %dma_wait3A_149 = tpu.memref_slice %arg6[%dma_wait3A_144, %dma_wait3A_148] : memref<2x128xi32, #tpu.memory_space<vmem>> -> memref<1x128xi32, #tpu.memory_space<vmem>>
      %dma_wait3A_150 = tpu.memref_squeeze %dma_wait3A_149 : memref<1x128xi32, #tpu.memory_space<vmem>> -> memref<128xi32, #tpu.memory_space<vmem>>
      %dma_wait3A_151 = arith.constant 0 : i32
      %dma_wait3A_152 = arith.constant 0 : i32
      %dma_wait3A_153 = tpu.memref_slice %arg3[%dma_wait3A_151, %dma_wait3A_152] : memref<1000000x64xf32, #tpu.memory_space<hbm>> -> memref<1000000x64xf32, #tpu.memory_space<hbm>>
      tpu.wait_indirect_dma semaphore(%arg16 : memref<!tpu.dma_semaphore, #tpu.memory_space<semaphore_mem>>) src(%dma_wait3A_153 : memref<1000000x64xf32, #tpu.memory_space<hbm>>) dst(%dma_wait3A_147 : memref<128x64xf32, #tpu.memory_space<vmem>>)
      %dma_wait3A_154 = arith.constant 1 : i32
      %dma_wait3A_155 = arith.constant 128 : i32
      %dma_wait3A_156 = arith.constant 0 : i32
      %dma_wait3A_157 = tpu.memref_slice %arg10[%dma_wait3A_155, %dma_wait3A_156] : memref<256x64xf32, #tpu.memory_space<vmem>> -> memref<128x64xf32, #tpu.memory_space<vmem>>
      %dma_wait3A_158 = arith.constant 0 : i32
      %dma_wait3A_159 = tpu.memref_slice %arg6[%dma_wait3A_154, %dma_wait3A_158] : memref<2x128xi32, #tpu.memory_space<vmem>> -> memref<1x128xi32, #tpu.memory_space<vmem>>
      %dma_wait3A_160 = tpu.memref_squeeze %dma_wait3A_159 : memref<1x128xi32, #tpu.memory_space<vmem>> -> memref<128xi32, #tpu.memory_space<vmem>>
      %dma_wait3A_161 = arith.constant 0 : i32
      %dma_wait3A_162 = arith.constant 0 : i32
      %dma_wait3A_163 = tpu.memref_slice %arg3[%dma_wait3A_161, %dma_wait3A_162] : memref<1000000x64xf32, #tpu.memory_space<hbm>> -> memref<1000000x64xf32, #tpu.memory_space<hbm>>
      tpu.wait_indirect_dma semaphore(%arg16 : memref<!tpu.dma_semaphore, #tpu.memory_space<semaphore_mem>>) src(%dma_wait3A_163 : memref<1000000x64xf32, #tpu.memory_space<hbm>>) dst(%dma_wait3A_157 : memref<128x64xf32, #tpu.memory_space<vmem>>)
      %add3A_164 = arith.addi %mul3A_2, %add3A_124 : i32
      %mul3A_165 = arith.constant 256 : i32
      %mul3A_166 = arith.muli %add3A_164, %mul3A_165 : i32
      %dma_start3A_167 = arith.constant 0 : i32
      %dma_start3A_168 = tpu.memref_slice %arg4[%mul3A_166, %dma_start3A_167] : memref<819200x64xf32, #tpu.memory_space<hbm>> -> memref<256x64xf32, #tpu.memory_space<hbm>>
      %dma_start3A_169 = arith.constant 0 : i32
      %dma_start3A_170 = tpu.memref_slice %arg4[%mul3A_166, %dma_start3A_169] : memref<819200x64xf32, #tpu.memory_space<hbm>> -> memref<256x64xf32, #tpu.memory_space<hbm>>
      tpu.enqueue_dma source(%arg10 : memref<256x64xf32, #tpu.memory_space<vmem>>) target(%dma_start3A_170 : memref<256x64xf32, #tpu.memory_space<hbm>>) target_semaphore(%arg18 : memref<!tpu.dma_semaphore, #tpu.memory_space<semaphore_mem>>)
      %mul3A_171 = arith.constant 4 : i32
      %mul3A_172 = arith.muli %scan3A_74, %mul3A_171 : i32
      %add3A_173 = arith.constant 2 : i32
      %add3A_174 = arith.addi %mul3A_172, %add3A_173 : i32
      %ge3A_175 = arith.constant 3 : i32
      %ge3A_176 = arith.cmpi sge, %add3A_174, %ge3A_175 : i32
      %convert_element_type3A_177 = arith.extui %ge3A_176 : i1 to i32
      %cond3A_178 = arith.constant 0 : i32
      %cond3A_179 = arith.cmpi ne, %convert_element_type3A_177, %cond3A_178 : i32
      scf.if %cond3A_179 {
        %sub3A = arith.constant 3 : i32
        %sub3A_271 = arith.subi %add3A_174, %sub3A : i32
        %add3A_272 = arith.addi %mul3A_2, %sub3A_271 : i32
        %mul3A_273 = arith.constant 256 : i32
        %mul3A_274 = arith.muli %add3A_272, %mul3A_273 : i32
        %dma_wait3A_275 = arith.constant 0 : i32
        %dma_wait3A_276 = tpu.memref_slice %arg4[%mul3A_274, %dma_wait3A_275] : memref<819200x64xf32, #tpu.memory_space<hbm>> -> memref<256x64xf32, #tpu.memory_space<hbm>>
        %dma_wait3A_277 = arith.constant 0 : i32
        %dma_wait3A_278 = tpu.memref_slice %arg4[%mul3A_274, %dma_wait3A_277] : memref<819200x64xf32, #tpu.memory_space<hbm>> -> memref<256x64xf32, #tpu.memory_space<hbm>>
        tpu.wait_dma2 semaphore(%arg20 : memref<!tpu.dma_semaphore, #tpu.memory_space<semaphore_mem>>) src(%arg12 : memref<256x64xf32, #tpu.memory_space<vmem>>) dst(%dma_wait3A_278 : memref<256x64xf32, #tpu.memory_space<hbm>>)
      } else {
      }
      %add3A_180 = arith.constant 2 : i32
      %add3A_181 = arith.addi %add3A_174, %add3A_180 : i32
      %lt3A_182 = arith.constant 100 : i32
      %lt3A_183 = arith.cmpi slt, %add3A_181, %lt3A_182 : i32
      %convert_element_type3A_184 = arith.extui %lt3A_183 : i1 to i32
      %cond3A_185 = arith.constant 0 : i32
      %cond3A_186 = arith.cmpi ne, %convert_element_type3A_184, %cond3A_185 : i32
      scf.if %cond3A_186 {
        %add3A_271 = arith.constant 2 : i32
        %add3A_272 = arith.addi %add3A_174, %add3A_271 : i32
        %add3A_273 = arith.addi %mul3A_2, %add3A_272 : i32
        %mul3A_274 = arith.constant 2 : i32
        %mul3A_275 = arith.muli %add3A_273, %mul3A_274 : i32
        %dma_start3A_276 = arith.constant 0 : i32
        %dma_start3A_277 = tpu.memref_slice %arg2[%mul3A_275, %dma_start3A_276] : memref<6400x128xi32, #tpu.memory_space<hbm>> -> memref<2x128xi32, #tpu.memory_space<hbm>>
        %dma_start3A_278 = arith.constant 0 : i32
        %dma_start3A_279 = tpu.memref_slice %arg2[%mul3A_275, %dma_start3A_278] : memref<6400x128xi32, #tpu.memory_space<hbm>> -> memref<2x128xi32, #tpu.memory_space<hbm>>
        tpu.enqueue_dma source(%dma_start3A_279 : memref<2x128xi32, #tpu.memory_space<hbm>>) target(%arg5 : memref<2x128xi32, #tpu.memory_space<vmem>>) target_semaphore(%arg13 : memref<!tpu.dma_semaphore, #tpu.memory_space<semaphore_mem>>)
      } else {
      }
      %add3A_187 = arith.constant 1 : i32
      %add3A_188 = arith.addi %add3A_174, %add3A_187 : i32
      %lt3A_189 = arith.constant 100 : i32
      %lt3A_190 = arith.cmpi slt, %add3A_188, %lt3A_189 : i32
      %convert_element_type3A_191 = arith.extui %lt3A_190 : i1 to i32
      %cond3A_192 = arith.constant 0 : i32
      %cond3A_193 = arith.cmpi ne, %convert_element_type3A_191, %cond3A_192 : i32
      scf.if %cond3A_193 {
        %add3A_271 = arith.constant 1 : i32
        %add3A_272 = arith.addi %add3A_174, %add3A_271 : i32
        %add3A_273 = arith.addi %mul3A_2, %add3A_272 : i32
        %mul3A_274 = arith.constant 2 : i32
        %mul3A_275 = arith.muli %add3A_273, %mul3A_274 : i32
        %dma_wait3A_276 = arith.constant 0 : i32
        %dma_wait3A_277 = tpu.memref_slice %arg2[%mul3A_275, %dma_wait3A_276] : memref<6400x128xi32, #tpu.memory_space<hbm>> -> memref<2x128xi32, #tpu.memory_space<hbm>>
        %dma_wait3A_278 = arith.constant 0 : i32
        %dma_wait3A_279 = tpu.memref_slice %arg2[%mul3A_275, %dma_wait3A_278] : memref<6400x128xi32, #tpu.memory_space<hbm>> -> memref<2x128xi32, #tpu.memory_space<hbm>>
        tpu.wait_dma2 semaphore(%arg14 : memref<!tpu.dma_semaphore, #tpu.memory_space<semaphore_mem>>) src(%dma_wait3A_279 : memref<2x128xi32, #tpu.memory_space<hbm>>) dst(%arg8 : memref<2x128xi32, #tpu.memory_space<vmem>>)
        %dma_start3A_280 = arith.constant 0 : i32
        %dma_start3A_281 = arith.constant 0 : i32
        %dma_start3A_282 = arith.constant 0 : i32
        %dma_start3A_283 = tpu.memref_slice %arg12[%dma_start3A_281, %dma_start3A_282] : memref<256x64xf32, #tpu.memory_space<vmem>> -> memref<128x64xf32, #tpu.memory_space<vmem>>
        %dma_start3A_284 = arith.constant 0 : i32
        %dma_start3A_285 = tpu.memref_slice %arg8[%dma_start3A_280, %dma_start3A_284] : memref<2x128xi32, #tpu.memory_space<vmem>> -> memref<1x128xi32, #tpu.memory_space<vmem>>
        %dma_start3A_286 = tpu.memref_squeeze %dma_start3A_285 : memref<1x128xi32, #tpu.memory_space<vmem>> -> memref<128xi32, #tpu.memory_space<vmem>>
        %dma_start3A_287 = arith.constant 0 : i32
        %dma_start3A_288 = arith.constant 0 : i32
        %dma_start3A_289 = tpu.memref_slice %arg3[%dma_start3A_287, %dma_start3A_288] : memref<1000000x64xf32, #tpu.memory_space<hbm>> -> memref<1000000x64xf32, #tpu.memory_space<hbm>>
        tpu.enqueue_indirect_dma source(%dma_start3A_289 : memref<1000000x64xf32, #tpu.memory_space<hbm>>) target(%dma_start3A_283 : memref<128x64xf32, #tpu.memory_space<vmem>>) offsets(%dma_start3A_286 : memref<128xi32, #tpu.memory_space<vmem>>) semaphore(%arg16 : memref<!tpu.dma_semaphore, #tpu.memory_space<semaphore_mem>>)
        %dma_start3A_290 = arith.constant 1 : i32
        %dma_start3A_291 = arith.constant 128 : i32
        %dma_start3A_292 = arith.constant 0 : i32
        %dma_start3A_293 = tpu.memref_slice %arg12[%dma_start3A_291, %dma_start3A_292] : memref<256x64xf32, #tpu.memory_space<vmem>> -> memref<128x64xf32, #tpu.memory_space<vmem>>
        %dma_start3A_294 = arith.constant 0 : i32
        %dma_start3A_295 = tpu.memref_slice %arg8[%dma_start3A_290, %dma_start3A_294] : memref<2x128xi32, #tpu.memory_space<vmem>> -> memref<1x128xi32, #tpu.memory_space<vmem>>
        %dma_start3A_296 = tpu.memref_squeeze %dma_start3A_295 : memref<1x128xi32, #tpu.memory_space<vmem>> -> memref<128xi32, #tpu.memory_space<vmem>>
        %dma_start3A_297 = arith.constant 0 : i32
        %dma_start3A_298 = arith.constant 0 : i32
        %dma_start3A_299 = tpu.memref_slice %arg3[%dma_start3A_297, %dma_start3A_298] : memref<1000000x64xf32, #tpu.memory_space<hbm>> -> memref<1000000x64xf32, #tpu.memory_space<hbm>>
        tpu.enqueue_indirect_dma source(%dma_start3A_299 : memref<1000000x64xf32, #tpu.memory_space<hbm>>) target(%dma_start3A_293 : memref<128x64xf32, #tpu.memory_space<vmem>>) offsets(%dma_start3A_296 : memref<128xi32, #tpu.memory_space<vmem>>) semaphore(%arg16 : memref<!tpu.dma_semaphore, #tpu.memory_space<semaphore_mem>>)
      } else {
      }
      %dma_wait3A_194 = arith.constant 0 : i32
      %dma_wait3A_195 = arith.constant 0 : i32
      %dma_wait3A_196 = arith.constant 0 : i32
      %dma_wait3A_197 = tpu.memref_slice %arg11[%dma_wait3A_195, %dma_wait3A_196] : memref<256x64xf32, #tpu.memory_space<vmem>> -> memref<128x64xf32, #tpu.memory_space<vmem>>
      %dma_wait3A_198 = arith.constant 0 : i32
      %dma_wait3A_199 = tpu.memref_slice %arg7[%dma_wait3A_194, %dma_wait3A_198] : memref<2x128xi32, #tpu.memory_space<vmem>> -> memref<1x128xi32, #tpu.memory_space<vmem>>
      %dma_wait3A_200 = tpu.memref_squeeze %dma_wait3A_199 : memref<1x128xi32, #tpu.memory_space<vmem>> -> memref<128xi32, #tpu.memory_space<vmem>>
      %dma_wait3A_201 = arith.constant 0 : i32
      %dma_wait3A_202 = arith.constant 0 : i32
      %dma_wait3A_203 = tpu.memref_slice %arg3[%dma_wait3A_201, %dma_wait3A_202] : memref<1000000x64xf32, #tpu.memory_space<hbm>> -> memref<1000000x64xf32, #tpu.memory_space<hbm>>
      tpu.wait_indirect_dma semaphore(%arg15 : memref<!tpu.dma_semaphore, #tpu.memory_space<semaphore_mem>>) src(%dma_wait3A_203 : memref<1000000x64xf32, #tpu.memory_space<hbm>>) dst(%dma_wait3A_197 : memref<128x64xf32, #tpu.memory_space<vmem>>)
      %dma_wait3A_204 = arith.constant 1 : i32
      %dma_wait3A_205 = arith.constant 128 : i32
      %dma_wait3A_206 = arith.constant 0 : i32
      %dma_wait3A_207 = tpu.memref_slice %arg11[%dma_wait3A_205, %dma_wait3A_206] : memref<256x64xf32, #tpu.memory_space<vmem>> -> memref<128x64xf32, #tpu.memory_space<vmem>>
      %dma_wait3A_208 = arith.constant 0 : i32
      %dma_wait3A_209 = tpu.memref_slice %arg7[%dma_wait3A_204, %dma_wait3A_208] : memref<2x128xi32, #tpu.memory_space<vmem>> -> memref<1x128xi32, #tpu.memory_space<vmem>>
      %dma_wait3A_210 = tpu.memref_squeeze %dma_wait3A_209 : memref<1x128xi32, #tpu.memory_space<vmem>> -> memref<128xi32, #tpu.memory_space<vmem>>
      %dma_wait3A_211 = arith.constant 0 : i32
      %dma_wait3A_212 = arith.constant 0 : i32
      %dma_wait3A_213 = tpu.memref_slice %arg3[%dma_wait3A_211, %dma_wait3A_212] : memref<1000000x64xf32, #tpu.memory_space<hbm>> -> memref<1000000x64xf32, #tpu.memory_space<hbm>>
      tpu.wait_indirect_dma semaphore(%arg15 : memref<!tpu.dma_semaphore, #tpu.memory_space<semaphore_mem>>) src(%dma_wait3A_213 : memref<1000000x64xf32, #tpu.memory_space<hbm>>) dst(%dma_wait3A_207 : memref<128x64xf32, #tpu.memory_space<vmem>>)
      %add3A_214 = arith.addi %mul3A_2, %add3A_174 : i32
      %mul3A_215 = arith.constant 256 : i32
      %mul3A_216 = arith.muli %add3A_214, %mul3A_215 : i32
      %dma_start3A_217 = arith.constant 0 : i32
      %dma_start3A_218 = tpu.memref_slice %arg4[%mul3A_216, %dma_start3A_217] : memref<819200x64xf32, #tpu.memory_space<hbm>> -> memref<256x64xf32, #tpu.memory_space<hbm>>
      %dma_start3A_219 = arith.constant 0 : i32
      %dma_start3A_220 = tpu.memref_slice %arg4[%mul3A_216, %dma_start3A_219] : memref<819200x64xf32, #tpu.memory_space<hbm>> -> memref<256x64xf32, #tpu.memory_space<hbm>>
      tpu.enqueue_dma source(%arg11 : memref<256x64xf32, #tpu.memory_space<vmem>>) target(%dma_start3A_220 : memref<256x64xf32, #tpu.memory_space<hbm>>) target_semaphore(%arg19 : memref<!tpu.dma_semaphore, #tpu.memory_space<semaphore_mem>>)
      %mul3A_221 = arith.constant 4 : i32
      %mul3A_222 = arith.muli %scan3A_74, %mul3A_221 : i32
      %add3A_223 = arith.constant 3 : i32
      %add3A_224 = arith.addi %mul3A_222, %add3A_223 : i32
      %ge3A_225 = arith.constant 3 : i32
      %ge3A_226 = arith.cmpi sge, %add3A_224, %ge3A_225 : i32
      %convert_element_type3A_227 = arith.extui %ge3A_226 : i1 to i32
      %cond3A_228 = arith.constant 0 : i32
      %cond3A_229 = arith.cmpi ne, %convert_element_type3A_227, %cond3A_228 : i32
      scf.if %cond3A_229 {
        %sub3A = arith.constant 3 : i32
        %sub3A_271 = arith.subi %add3A_224, %sub3A : i32
        %add3A_272 = arith.addi %mul3A_2, %sub3A_271 : i32
        %mul3A_273 = arith.constant 256 : i32
        %mul3A_274 = arith.muli %add3A_272, %mul3A_273 : i32
        %dma_wait3A_275 = arith.constant 0 : i32
        %dma_wait3A_276 = tpu.memref_slice %arg4[%mul3A_274, %dma_wait3A_275] : memref<819200x64xf32, #tpu.memory_space<hbm>> -> memref<256x64xf32, #tpu.memory_space<hbm>>
        %dma_wait3A_277 = arith.constant 0 : i32
        %dma_wait3A_278 = tpu.memref_slice %arg4[%mul3A_274, %dma_wait3A_277] : memref<819200x64xf32, #tpu.memory_space<hbm>> -> memref<256x64xf32, #tpu.memory_space<hbm>>
        tpu.wait_dma2 semaphore(%arg17 : memref<!tpu.dma_semaphore, #tpu.memory_space<semaphore_mem>>) src(%arg9 : memref<256x64xf32, #tpu.memory_space<vmem>>) dst(%dma_wait3A_278 : memref<256x64xf32, #tpu.memory_space<hbm>>)
      } else {
      }
      %add3A_230 = arith.constant 2 : i32
      %add3A_231 = arith.addi %add3A_224, %add3A_230 : i32
      %lt3A_232 = arith.constant 100 : i32
      %lt3A_233 = arith.cmpi slt, %add3A_231, %lt3A_232 : i32
      %convert_element_type3A_234 = arith.extui %lt3A_233 : i1 to i32
      %cond3A_235 = arith.constant 0 : i32
      %cond3A_236 = arith.cmpi ne, %convert_element_type3A_234, %cond3A_235 : i32
      scf.if %cond3A_236 {
        %add3A_271 = arith.constant 2 : i32
        %add3A_272 = arith.addi %add3A_224, %add3A_271 : i32
        %add3A_273 = arith.addi %mul3A_2, %add3A_272 : i32
        %mul3A_274 = arith.constant 2 : i32
        %mul3A_275 = arith.muli %add3A_273, %mul3A_274 : i32
        %dma_start3A_276 = arith.constant 0 : i32
        %dma_start3A_277 = tpu.memref_slice %arg2[%mul3A_275, %dma_start3A_276] : memref<6400x128xi32, #tpu.memory_space<hbm>> -> memref<2x128xi32, #tpu.memory_space<hbm>>
        %dma_start3A_278 = arith.constant 0 : i32
        %dma_start3A_279 = tpu.memref_slice %arg2[%mul3A_275, %dma_start3A_278] : memref<6400x128xi32, #tpu.memory_space<hbm>> -> memref<2x128xi32, #tpu.memory_space<hbm>>
        tpu.enqueue_dma source(%dma_start3A_279 : memref<2x128xi32, #tpu.memory_space<hbm>>) target(%arg6 : memref<2x128xi32, #tpu.memory_space<vmem>>) target_semaphore(%arg14 : memref<!tpu.dma_semaphore, #tpu.memory_space<semaphore_mem>>)
      } else {
      }
      %add3A_237 = arith.constant 1 : i32
      %add3A_238 = arith.addi %add3A_224, %add3A_237 : i32
      %lt3A_239 = arith.constant 100 : i32
      %lt3A_240 = arith.cmpi slt, %add3A_238, %lt3A_239 : i32
      %convert_element_type3A_241 = arith.extui %lt3A_240 : i1 to i32
      %cond3A_242 = arith.constant 0 : i32
      %cond3A_243 = arith.cmpi ne, %convert_element_type3A_241, %cond3A_242 : i32
      scf.if %cond3A_243 {
        %add3A_271 = arith.constant 1 : i32
        %add3A_272 = arith.addi %add3A_224, %add3A_271 : i32
        %add3A_273 = arith.addi %mul3A_2, %add3A_272 : i32
        %mul3A_274 = arith.constant 2 : i32
        %mul3A_275 = arith.muli %add3A_273, %mul3A_274 : i32
        %dma_wait3A_276 = arith.constant 0 : i32
        %dma_wait3A_277 = tpu.memref_slice %arg2[%mul3A_275, %dma_wait3A_276] : memref<6400x128xi32, #tpu.memory_space<hbm>> -> memref<2x128xi32, #tpu.memory_space<hbm>>
        %dma_wait3A_278 = arith.constant 0 : i32
        %dma_wait3A_279 = tpu.memref_slice %arg2[%mul3A_275, %dma_wait3A_278] : memref<6400x128xi32, #tpu.memory_space<hbm>> -> memref<2x128xi32, #tpu.memory_space<hbm>>
        tpu.wait_dma2 semaphore(%arg13 : memref<!tpu.dma_semaphore, #tpu.memory_space<semaphore_mem>>) src(%dma_wait3A_279 : memref<2x128xi32, #tpu.memory_space<hbm>>) dst(%arg5 : memref<2x128xi32, #tpu.memory_space<vmem>>)
        %dma_start3A_280 = arith.constant 0 : i32
        %dma_start3A_281 = arith.constant 0 : i32
        %dma_start3A_282 = arith.constant 0 : i32
        %dma_start3A_283 = tpu.memref_slice %arg9[%dma_start3A_281, %dma_start3A_282] : memref<256x64xf32, #tpu.memory_space<vmem>> -> memref<128x64xf32, #tpu.memory_space<vmem>>
        %dma_start3A_284 = arith.constant 0 : i32
        %dma_start3A_285 = tpu.memref_slice %arg5[%dma_start3A_280, %dma_start3A_284] : memref<2x128xi32, #tpu.memory_space<vmem>> -> memref<1x128xi32, #tpu.memory_space<vmem>>
        %dma_start3A_286 = tpu.memref_squeeze %dma_start3A_285 : memref<1x128xi32, #tpu.memory_space<vmem>> -> memref<128xi32, #tpu.memory_space<vmem>>
        %dma_start3A_287 = arith.constant 0 : i32
        %dma_start3A_288 = arith.constant 0 : i32
        %dma_start3A_289 = tpu.memref_slice %arg3[%dma_start3A_287, %dma_start3A_288] : memref<1000000x64xf32, #tpu.memory_space<hbm>> -> memref<1000000x64xf32, #tpu.memory_space<hbm>>
        tpu.enqueue_indirect_dma source(%dma_start3A_289 : memref<1000000x64xf32, #tpu.memory_space<hbm>>) target(%dma_start3A_283 : memref<128x64xf32, #tpu.memory_space<vmem>>) offsets(%dma_start3A_286 : memref<128xi32, #tpu.memory_space<vmem>>) semaphore(%arg15 : memref<!tpu.dma_semaphore, #tpu.memory_space<semaphore_mem>>)
        %dma_start3A_290 = arith.constant 1 : i32
        %dma_start3A_291 = arith.constant 128 : i32
        %dma_start3A_292 = arith.constant 0 : i32
        %dma_start3A_293 = tpu.memref_slice %arg9[%dma_start3A_291, %dma_start3A_292] : memref<256x64xf32, #tpu.memory_space<vmem>> -> memref<128x64xf32, #tpu.memory_space<vmem>>
        %dma_start3A_294 = arith.constant 0 : i32
        %dma_start3A_295 = tpu.memref_slice %arg5[%dma_start3A_290, %dma_start3A_294] : memref<2x128xi32, #tpu.memory_space<vmem>> -> memref<1x128xi32, #tpu.memory_space<vmem>>
        %dma_start3A_296 = tpu.memref_squeeze %dma_start3A_295 : memref<1x128xi32, #tpu.memory_space<vmem>> -> memref<128xi32, #tpu.memory_space<vmem>>
        %dma_start3A_297 = arith.constant 0 : i32
        %dma_start3A_298 = arith.constant 0 : i32
        %dma_start3A_299 = tpu.memref_slice %arg3[%dma_start3A_297, %dma_start3A_298] : memref<1000000x64xf32, #tpu.memory_space<hbm>> -> memref<1000000x64xf32, #tpu.memory_space<hbm>>
        tpu.enqueue_indirect_dma source(%dma_start3A_299 : memref<1000000x64xf32, #tpu.memory_space<hbm>>) target(%dma_start3A_293 : memref<128x64xf32, #tpu.memory_space<vmem>>) offsets(%dma_start3A_296 : memref<128xi32, #tpu.memory_space<vmem>>) semaphore(%arg15 : memref<!tpu.dma_semaphore, #tpu.memory_space<semaphore_mem>>)
      } else {
      }
      %dma_wait3A_244 = arith.constant 0 : i32
      %dma_wait3A_245 = arith.constant 0 : i32
      %dma_wait3A_246 = arith.constant 0 : i32
      %dma_wait3A_247 = tpu.memref_slice %arg12[%dma_wait3A_245, %dma_wait3A_246] : memref<256x64xf32, #tpu.memory_space<vmem>> -> memref<128x64xf32, #tpu.memory_space<vmem>>
      %dma_wait3A_248 = arith.constant 0 : i32
      %dma_wait3A_249 = tpu.memref_slice %arg8[%dma_wait3A_244, %dma_wait3A_248] : memref<2x128xi32, #tpu.memory_space<vmem>> -> memref<1x128xi32, #tpu.memory_space<vmem>>
      %dma_wait3A_250 = tpu.memref_squeeze %dma_wait3A_249 : memref<1x128xi32, #tpu.memory_space<vmem>> -> memref<128xi32, #tpu.memory_space<vmem>>
      %dma_wait3A_251 = arith.constant 0 : i32
      %dma_wait3A_252 = arith.constant 0 : i32
      %dma_wait3A_253 = tpu.memref_slice %arg3[%dma_wait3A_251, %dma_wait3A_252] : memref<1000000x64xf32, #tpu.memory_space<hbm>> -> memref<1000000x64xf32, #tpu.memory_space<hbm>>
      tpu.wait_indirect_dma semaphore(%arg16 : memref<!tpu.dma_semaphore, #tpu.memory_space<semaphore_mem>>) src(%dma_wait3A_253 : memref<1000000x64xf32, #tpu.memory_space<hbm>>) dst(%dma_wait3A_247 : memref<128x64xf32, #tpu.memory_space<vmem>>)
      %dma_wait3A_254 = arith.constant 1 : i32
      %dma_wait3A_255 = arith.constant 128 : i32
      %dma_wait3A_256 = arith.constant 0 : i32
      %dma_wait3A_257 = tpu.memref_slice %arg12[%dma_wait3A_255, %dma_wait3A_256] : memref<256x64xf32, #tpu.memory_space<vmem>> -> memref<128x64xf32, #tpu.memory_space<vmem>>
      %dma_wait3A_258 = arith.constant 0 : i32
      %dma_wait3A_259 = tpu.memref_slice %arg8[%dma_wait3A_254, %dma_wait3A_258] : memref<2x128xi32, #tpu.memory_space<vmem>> -> memref<1x128xi32, #tpu.memory_space<vmem>>
      %dma_wait3A_260 = tpu.memref_squeeze %dma_wait3A_259 : memref<1x128xi32, #tpu.memory_space<vmem>> -> memref<128xi32, #tpu.memory_space<vmem>>
      %dma_wait3A_261 = arith.constant 0 : i32
      %dma_wait3A_262 = arith.constant 0 : i32
      %dma_wait3A_263 = tpu.memref_slice %arg3[%dma_wait3A_261, %dma_wait3A_262] : memref<1000000x64xf32, #tpu.memory_space<hbm>> -> memref<1000000x64xf32, #tpu.memory_space<hbm>>
      tpu.wait_indirect_dma semaphore(%arg16 : memref<!tpu.dma_semaphore, #tpu.memory_space<semaphore_mem>>) src(%dma_wait3A_263 : memref<1000000x64xf32, #tpu.memory_space<hbm>>) dst(%dma_wait3A_257 : memref<128x64xf32, #tpu.memory_space<vmem>>)
      %add3A_264 = arith.addi %mul3A_2, %add3A_224 : i32
      %mul3A_265 = arith.constant 256 : i32
      %mul3A_266 = arith.muli %add3A_264, %mul3A_265 : i32
      %dma_start3A_267 = arith.constant 0 : i32
      %dma_start3A_268 = tpu.memref_slice %arg4[%mul3A_266, %dma_start3A_267] : memref<819200x64xf32, #tpu.memory_space<hbm>> -> memref<256x64xf32, #tpu.memory_space<hbm>>
      %dma_start3A_269 = arith.constant 0 : i32
      %dma_start3A_270 = tpu.memref_slice %arg4[%mul3A_266, %dma_start3A_269] : memref<819200x64xf32, #tpu.memory_space<hbm>> -> memref<256x64xf32, #tpu.memory_space<hbm>>
      tpu.enqueue_dma source(%arg12 : memref<256x64xf32, #tpu.memory_space<vmem>>) target(%dma_start3A_270 : memref<256x64xf32, #tpu.memory_space<hbm>>) target_semaphore(%arg20 : memref<!tpu.dma_semaphore, #tpu.memory_space<semaphore_mem>>)
    }
    %scan3A_49 = arith.constant 25 : i32
    %add3A_50 = arith.constant 97 : i32
    %add3A_51 = arith.addi %mul3A_2, %add3A_50 : i32
    %mul3A_52 = arith.constant 256 : i32
    %mul3A_53 = arith.muli %add3A_51, %mul3A_52 : i32
    %dma_wait3A_54 = arith.constant 0 : i32
    %dma_wait3A_55 = tpu.memref_slice %arg4[%mul3A_53, %dma_wait3A_54] : memref<819200x64xf32, #tpu.memory_space<hbm>> -> memref<256x64xf32, #tpu.memory_space<hbm>>
    %dma_wait3A_56 = arith.constant 0 : i32
    %dma_wait3A_57 = tpu.memref_slice %arg4[%mul3A_53, %dma_wait3A_56] : memref<819200x64xf32, #tpu.memory_space<hbm>> -> memref<256x64xf32, #tpu.memory_space<hbm>>
    tpu.wait_dma2 semaphore(%arg18 : memref<!tpu.dma_semaphore, #tpu.memory_space<semaphore_mem>>) src(%arg10 : memref<256x64xf32, #tpu.memory_space<vmem>>) dst(%dma_wait3A_57 : memref<256x64xf32, #tpu.memory_space<hbm>>)
    %add3A_58 = arith.constant 98 : i32
    %add3A_59 = arith.addi %mul3A_2, %add3A_58 : i32
    %mul3A_60 = arith.constant 256 : i32
    %mul3A_61 = arith.muli %add3A_59, %mul3A_60 : i32
    %dma_wait3A_62 = arith.constant 0 : i32
    %dma_wait3A_63 = tpu.memref_slice %arg4[%mul3A_61, %dma_wait3A_62] : memref<819200x64xf32, #tpu.memory_space<hbm>> -> memref<256x64xf32, #tpu.memory_space<hbm>>
    %dma_wait3A_64 = arith.constant 0 : i32
    %dma_wait3A_65 = tpu.memref_slice %arg4[%mul3A_61, %dma_wait3A_64] : memref<819200x64xf32, #tpu.memory_space<hbm>> -> memref<256x64xf32, #tpu.memory_space<hbm>>
    tpu.wait_dma2 semaphore(%arg19 : memref<!tpu.dma_semaphore, #tpu.memory_space<semaphore_mem>>) src(%arg11 : memref<256x64xf32, #tpu.memory_space<vmem>>) dst(%dma_wait3A_65 : memref<256x64xf32, #tpu.memory_space<hbm>>)
    %add3A_66 = arith.constant 99 : i32
    %add3A_67 = arith.addi %mul3A_2, %add3A_66 : i32
    %mul3A_68 = arith.constant 256 : i32
    %mul3A_69 = arith.muli %add3A_67, %mul3A_68 : i32
    %dma_wait3A_70 = arith.constant 0 : i32
    %dma_wait3A_71 = tpu.memref_slice %arg4[%mul3A_69, %dma_wait3A_70] : memref<819200x64xf32, #tpu.memory_space<hbm>> -> memref<256x64xf32, #tpu.memory_space<hbm>>
    %dma_wait3A_72 = arith.constant 0 : i32
    %dma_wait3A_73 = tpu.memref_slice %arg4[%mul3A_69, %dma_wait3A_72] : memref<819200x64xf32, #tpu.memory_space<hbm>> -> memref<256x64xf32, #tpu.memory_space<hbm>>
    tpu.wait_dma2 semaphore(%arg20 : memref<!tpu.dma_semaphore, #tpu.memory_space<semaphore_mem>>) src(%arg12 : memref<256x64xf32, #tpu.memory_space<vmem>>) dst(%dma_wait3A_73 : memref<256x64xf32, #tpu.memory_space<hbm>>)
    return
  }
}

module attributes {stable_mosaic.version = 14 : i64} {
  func.func @body(%arg0: i32, %arg1: memref<1x1024x64xf32, #tpu.memory_space<vmem>>, %arg2: memref<8x8x1x8x128xf32, #tpu.memory_space<vmem>>, %arg3: memref<1x8x128xi32, #tpu.memory_space<vmem>>, %arg4: memref<8x8x1x8x128xf32, #tpu.memory_space<vmem>>) attributes {dimension_semantics = [#tpu.dimension_semantics<arbitrary>], iteration_bounds = array<i64: 800>, scalar_prefetch = 0 : i64, scratch_operands = 0 : i64, tpu.core_type = #tpu.core_type<tc>, window_params = [{transform_indices = @transform_0, window_bounds = array<i64: 1, 1024, 64>}, {transform_indices = @transform_1, window_bounds = array<i64: 8, 8, 1, 8, 128>}, {transform_indices = @transform_2, window_bounds = array<i64: 1, 8, 128>}, {transform_indices = @transform_3, window_bounds = array<i64: 8, 8, 1, 8, 128>}]} {
    %iota3A = tpu.iota {dimensions = array<i32: 0>} : vector<128x128xi32>
    %iota3A_0 = tpu.iota {dimensions = array<i32: 1>} : vector<128x128xi32>
    %eq3A = arith.cmpi eq, %iota3A, %iota3A_0 : vector<128x128xi32>
    %convert_element_type3A = arith.extui %eq3A : vector<128x128xi1> to vector<128x128xi32>
    %convert_element_type3A_1 = arith.sitofp %convert_element_type3A : vector<128x128xi32> to vector<128x128xf32>
    %get3A = arith.constant 0 : index
    %get3A_2 = arith.constant 0 : index
    %get3A_3 = arith.constant 0 : index
    %get3A_4 = vector.load %arg1[%get3A, %get3A_2, %get3A_3] : memref<1x1024x64xf32, #tpu.memory_space<vmem>>, vector<1x128x64xf32>
    %get3A_5 = vector.shape_cast %get3A_4 : vector<1x128x64xf32> to vector<128x64xf32>
    %get3A_6 = arith.constant 0 : index
    %get3A_7 = arith.constant 0 : index
    %get3A_8 = arith.constant 0 : index
    %get3A_9 = vector.load %arg3[%get3A_6, %get3A_7, %get3A_8] : memref<1x8x128xi32, #tpu.memory_space<vmem>>, vector<1x1x128xi32>
    %get3A_10 = vector.shape_cast %get3A_9 : vector<1x1x128xi32> to vector<128xi32>
    %eq3A_11 = arith.constant 0 : i32
    %eq3A_12 = vector.broadcast %eq3A_11 : i32 to vector<128xi32>
    %eq3A_13 = arith.cmpi eq, %get3A_10, %eq3A_12 : vector<128xi32>
    %convert_element_type3A_14 = arith.extui %eq3A_13 : vector<128xi1> to vector<128xi32>
    %convert_element_type3A_15 = arith.sitofp %convert_element_type3A_14 : vector<128xi32> to vector<128xf32>
    %broadcast_in_dim3A = vector.shape_cast %convert_element_type3A_15 : vector<128xf32> to vector<128x1xf32>
    %mul3A = vector.broadcast %broadcast_in_dim3A : vector<128x1xf32> to vector<128x64xf32>
    %mul3A_16 = arith.mulf %get3A_5, %mul3A : vector<128x64xf32>
    %dot_general3A = arith.constant dense<0.000000e+00> : vector<64x128xf32>
    %dot_general3A_17 = tpu.matmul %mul3A_16, %convert_element_type3A_1, %dot_general3A {dimension_numbers = #tpu.dot_dimension_numbers<[0], [0], [1], [1], [0, 1, 1, 1], [], []>, transpose_lhs_hint = false} : vector<128x64xf32>, vector<128x128xf32>, vector<64x128xf32> -> vector<64x128xf32>
    %get3A_18 = arith.constant 0 : index
    %get3A_19 = arith.constant 0 : index
    %get3A_20 = arith.constant 0 : index
    %get3A_21 = arith.constant 0 : index
    %get3A_22 = arith.constant 0 : index
    %get3A_23 = vector.load %arg2[%get3A_18, %get3A_19, %get3A_20, %get3A_21, %get3A_22] : memref<8x8x1x8x128xf32, #tpu.memory_space<vmem>>, vector<1x8x1x8x128xf32>
    %get3A_24 = vector.shape_cast %get3A_23 : vector<1x8x1x8x128xf32> to vector<8x8x128xf32>
    %reshape3A = vector.shape_cast %get3A_24 : vector<8x8x128xf32> to vector<64x128xf32>
    %add3A = arith.addf %reshape3A, %dot_general3A_17 : vector<64x128xf32>
    %reshape3A_25 = vector.shape_cast %add3A : vector<64x128xf32> to vector<8x8x128xf32>
    %swap3A = arith.constant 0 : index
    %swap3A_26 = arith.constant 0 : index
    %swap3A_27 = arith.constant 0 : index
    %swap3A_28 = arith.constant 0 : index
    %swap3A_29 = arith.constant 0 : index
    %swap3A_30 = vector.load %arg4[%swap3A, %swap3A_26, %swap3A_27, %swap3A_28, %swap3A_29] : memref<8x8x1x8x128xf32, #tpu.memory_space<vmem>>, vector<1x8x1x8x128xf32>
    %swap3A_31 = vector.shape_cast %swap3A_30 : vector<1x8x1x8x128xf32> to vector<8x8x128xf32>
    %swap3A_32 = vector.shape_cast %reshape3A_25 : vector<8x8x128xf32> to vector<1x8x1x8x128xf32>
    tpu.vector_store %arg4[%swap3A, %swap3A_26, %swap3A_27, %swap3A_28, %swap3A_29], %swap3A_32 {strides = array<i32>} : memref<8x8x1x8x128xf32, #tpu.memory_space<vmem>>, vector<1x8x1x8x128xf32>,
    %get3A_33 = arith.constant 0 : index
    %get3A_34 = arith.constant 128 : index
    %get3A_35 = arith.constant 0 : index
    %get3A_36 = vector.load %arg1[%get3A_33, %get3A_34, %get3A_35] : memref<1x1024x64xf32, #tpu.memory_space<vmem>>, vector<1x128x64xf32>
    %get3A_37 = vector.shape_cast %get3A_36 : vector<1x128x64xf32> to vector<128x64xf32>
    %get3A_38 = arith.constant 0 : index
    %get3A_39 = arith.constant 1 : index
    %get3A_40 = arith.constant 0 : index
    %get3A_41 = vector.load %arg3[%get3A_38, %get3A_39, %get3A_40] : memref<1x8x128xi32, #tpu.memory_space<vmem>>, vector<1x1x128xi32>
    %get3A_42 = vector.shape_cast %get3A_41 : vector<1x1x128xi32> to vector<128xi32>
    %eq3A_43 = arith.constant 0 : i32
    %eq3A_44 = vector.broadcast %eq3A_43 : i32 to vector<128xi32>
    %eq3A_45 = arith.cmpi eq, %get3A_42, %eq3A_44 : vector<128xi32>
    %convert_element_type3A_46 = arith.extui %eq3A_45 : vector<128xi1> to vector<128xi32>
    %convert_element_type3A_47 = arith.sitofp %convert_element_type3A_46 : vector<128xi32> to vector<128xf32>
    %broadcast_in_dim3A_48 = vector.shape_cast %convert_element_type3A_47 : vector<128xf32> to vector<128x1xf32>
    %mul3A_49 = vector.broadcast %broadcast_in_dim3A_48 : vector<128x1xf32> to vector<128x64xf32>
    %mul3A_50 = arith.mulf %get3A_37, %mul3A_49 : vector<128x64xf32>
    %dot_general3A_51 = arith.constant dense<0.000000e+00> : vector<64x128xf32>
    %dot_general3A_52 = tpu.matmul %mul3A_50, %convert_element_type3A_1, %dot_general3A_51 {dimension_numbers = #tpu.dot_dimension_numbers<[0], [0], [1], [1], [0, 1, 1, 1], [], []>, transpose_lhs_hint = false} : vector<128x64xf32>, vector<128x128xf32>, vector<64x128xf32> -> vector<64x128xf32>
    %get3A_53 = arith.constant 1 : index
    %get3A_54 = arith.constant 0 : index
    %get3A_55 = arith.constant 0 : index
    %get3A_56 = arith.constant 0 : index
    %get3A_57 = arith.constant 0 : index
    %get3A_58 = vector.load %arg2[%get3A_53, %get3A_54, %get3A_55, %get3A_56, %get3A_57] : memref<8x8x1x8x128xf32, #tpu.memory_space<vmem>>, vector<1x8x1x8x128xf32>
    %get3A_59 = vector.shape_cast %get3A_58 : vector<1x8x1x8x128xf32> to vector<8x8x128xf32>
    %reshape3A_60 = vector.shape_cast %get3A_59 : vector<8x8x128xf32> to vector<64x128xf32>
    %add3A_61 = arith.addf %reshape3A_60, %dot_general3A_52 : vector<64x128xf32>
    %reshape3A_62 = vector.shape_cast %add3A_61 : vector<64x128xf32> to vector<8x8x128xf32>
    %swap3A_63 = arith.constant 1 : index
    %swap3A_64 = arith.constant 0 : index
    %swap3A_65 = arith.constant 0 : index
    %swap3A_66 = arith.constant 0 : index
    %swap3A_67 = arith.constant 0 : index
    %swap3A_68 = vector.load %arg4[%swap3A_63, %swap3A_64, %swap3A_65, %swap3A_66, %swap3A_67] : memref<8x8x1x8x128xf32, #tpu.memory_space<vmem>>, vector<1x8x1x8x128xf32>
    %swap3A_69 = vector.shape_cast %swap3A_68 : vector<1x8x1x8x128xf32> to vector<8x8x128xf32>
    %swap3A_70 = vector.shape_cast %reshape3A_62 : vector<8x8x128xf32> to vector<1x8x1x8x128xf32>
    tpu.vector_store %arg4[%swap3A_63, %swap3A_64, %swap3A_65, %swap3A_66, %swap3A_67], %swap3A_70 {strides = array<i32>} : memref<8x8x1x8x128xf32, #tpu.memory_space<vmem>>, vector<1x8x1x8x128xf32>,
    %get3A_71 = arith.constant 0 : index
    %get3A_72 = arith.constant 256 : index
    %get3A_73 = arith.constant 0 : index
    %get3A_74 = vector.load %arg1[%get3A_71, %get3A_72, %get3A_73] : memref<1x1024x64xf32, #tpu.memory_space<vmem>>, vector<1x128x64xf32>
    %get3A_75 = vector.shape_cast %get3A_74 : vector<1x128x64xf32> to vector<128x64xf32>
    %get3A_76 = arith.constant 0 : index
    %get3A_77 = arith.constant 2 : index
    %get3A_78 = arith.constant 0 : index
    %get3A_79 = vector.load %arg3[%get3A_76, %get3A_77, %get3A_78] : memref<1x8x128xi32, #tpu.memory_space<vmem>>, vector<1x1x128xi32>
    %get3A_80 = vector.shape_cast %get3A_79 : vector<1x1x128xi32> to vector<128xi32>
    %eq3A_81 = arith.constant 0 : i32
    %eq3A_82 = vector.broadcast %eq3A_81 : i32 to vector<128xi32>
    %eq3A_83 = arith.cmpi eq, %get3A_80, %eq3A_82 : vector<128xi32>
    %convert_element_type3A_84 = arith.extui %eq3A_83 : vector<128xi1> to vector<128xi32>
    %convert_element_type3A_85 = arith.sitofp %convert_element_type3A_84 : vector<128xi32> to vector<128xf32>
    %broadcast_in_dim3A_86 = vector.shape_cast %convert_element_type3A_85 : vector<128xf32> to vector<128x1xf32>
    %mul3A_87 = vector.broadcast %broadcast_in_dim3A_86 : vector<128x1xf32> to vector<128x64xf32>
    %mul3A_88 = arith.mulf %get3A_75, %mul3A_87 : vector<128x64xf32>
    %dot_general3A_89 = arith.constant dense<0.000000e+00> : vector<64x128xf32>
    %dot_general3A_90 = tpu.matmul %mul3A_88, %convert_element_type3A_1, %dot_general3A_89 {dimension_numbers = #tpu.dot_dimension_numbers<[0], [0], [1], [1], [0, 1, 1, 1], [], []>, transpose_lhs_hint = false} : vector<128x64xf32>, vector<128x128xf32>, vector<64x128xf32> -> vector<64x128xf32>
    %get3A_91 = arith.constant 2 : index
    %get3A_92 = arith.constant 0 : index
    %get3A_93 = arith.constant 0 : index
    %get3A_94 = arith.constant 0 : index
    %get3A_95 = arith.constant 0 : index
    %get3A_96 = vector.load %arg2[%get3A_91, %get3A_92, %get3A_93, %get3A_94, %get3A_95] : memref<8x8x1x8x128xf32, #tpu.memory_space<vmem>>, vector<1x8x1x8x128xf32>
    %get3A_97 = vector.shape_cast %get3A_96 : vector<1x8x1x8x128xf32> to vector<8x8x128xf32>
    %reshape3A_98 = vector.shape_cast %get3A_97 : vector<8x8x128xf32> to vector<64x128xf32>
    %add3A_99 = arith.addf %reshape3A_98, %dot_general3A_90 : vector<64x128xf32>
    %reshape3A_100 = vector.shape_cast %add3A_99 : vector<64x128xf32> to vector<8x8x128xf32>
    %swap3A_101 = arith.constant 2 : index
    %swap3A_102 = arith.constant 0 : index
    %swap3A_103 = arith.constant 0 : index
    %swap3A_104 = arith.constant 0 : index
    %swap3A_105 = arith.constant 0 : index
    %swap3A_106 = vector.load %arg4[%swap3A_101, %swap3A_102, %swap3A_103, %swap3A_104, %swap3A_105] : memref<8x8x1x8x128xf32, #tpu.memory_space<vmem>>, vector<1x8x1x8x128xf32>
    %swap3A_107 = vector.shape_cast %swap3A_106 : vector<1x8x1x8x128xf32> to vector<8x8x128xf32>
    %swap3A_108 = vector.shape_cast %reshape3A_100 : vector<8x8x128xf32> to vector<1x8x1x8x128xf32>
    tpu.vector_store %arg4[%swap3A_101, %swap3A_102, %swap3A_103, %swap3A_104, %swap3A_105], %swap3A_108 {strides = array<i32>} : memref<8x8x1x8x128xf32, #tpu.memory_space<vmem>>, vector<1x8x1x8x128xf32>,
    %get3A_109 = arith.constant 0 : index
    %get3A_110 = arith.constant 384 : index
    %get3A_111 = arith.constant 0 : index
    %get3A_112 = vector.load %arg1[%get3A_109, %get3A_110, %get3A_111] : memref<1x1024x64xf32, #tpu.memory_space<vmem>>, vector<1x128x64xf32>
    %get3A_113 = vector.shape_cast %get3A_112 : vector<1x128x64xf32> to vector<128x64xf32>
    %get3A_114 = arith.constant 0 : index
    %get3A_115 = arith.constant 3 : index
    %get3A_116 = arith.constant 0 : index
    %get3A_117 = vector.load %arg3[%get3A_114, %get3A_115, %get3A_116] : memref<1x8x128xi32, #tpu.memory_space<vmem>>, vector<1x1x128xi32>
    %get3A_118 = vector.shape_cast %get3A_117 : vector<1x1x128xi32> to vector<128xi32>
    %eq3A_119 = arith.constant 0 : i32
    %eq3A_120 = vector.broadcast %eq3A_119 : i32 to vector<128xi32>
    %eq3A_121 = arith.cmpi eq, %get3A_118, %eq3A_120 : vector<128xi32>
    %convert_element_type3A_122 = arith.extui %eq3A_121 : vector<128xi1> to vector<128xi32>
    %convert_element_type3A_123 = arith.sitofp %convert_element_type3A_122 : vector<128xi32> to vector<128xf32>
    %broadcast_in_dim3A_124 = vector.shape_cast %convert_element_type3A_123 : vector<128xf32> to vector<128x1xf32>
    %mul3A_125 = vector.broadcast %broadcast_in_dim3A_124 : vector<128x1xf32> to vector<128x64xf32>
    %mul3A_126 = arith.mulf %get3A_113, %mul3A_125 : vector<128x64xf32>
    %dot_general3A_127 = arith.constant dense<0.000000e+00> : vector<64x128xf32>
    %dot_general3A_128 = tpu.matmul %mul3A_126, %convert_element_type3A_1, %dot_general3A_127 {dimension_numbers = #tpu.dot_dimension_numbers<[0], [0], [1], [1], [0, 1, 1, 1], [], []>, transpose_lhs_hint = false} : vector<128x64xf32>, vector<128x128xf32>, vector<64x128xf32> -> vector<64x128xf32>
    %get3A_129 = arith.constant 3 : index
    %get3A_130 = arith.constant 0 : index
    %get3A_131 = arith.constant 0 : index
    %get3A_132 = arith.constant 0 : index
    %get3A_133 = arith.constant 0 : index
    %get3A_134 = vector.load %arg2[%get3A_129, %get3A_130, %get3A_131, %get3A_132, %get3A_133] : memref<8x8x1x8x128xf32, #tpu.memory_space<vmem>>, vector<1x8x1x8x128xf32>
    %get3A_135 = vector.shape_cast %get3A_134 : vector<1x8x1x8x128xf32> to vector<8x8x128xf32>
    %reshape3A_136 = vector.shape_cast %get3A_135 : vector<8x8x128xf32> to vector<64x128xf32>
    %add3A_137 = arith.addf %reshape3A_136, %dot_general3A_128 : vector<64x128xf32>
    %reshape3A_138 = vector.shape_cast %add3A_137 : vector<64x128xf32> to vector<8x8x128xf32>
    %swap3A_139 = arith.constant 3 : index
    %swap3A_140 = arith.constant 0 : index
    %swap3A_141 = arith.constant 0 : index
    %swap3A_142 = arith.constant 0 : index
    %swap3A_143 = arith.constant 0 : index
    %swap3A_144 = vector.load %arg4[%swap3A_139, %swap3A_140, %swap3A_141, %swap3A_142, %swap3A_143] : memref<8x8x1x8x128xf32, #tpu.memory_space<vmem>>, vector<1x8x1x8x128xf32>
    %swap3A_145 = vector.shape_cast %swap3A_144 : vector<1x8x1x8x128xf32> to vector<8x8x128xf32>
    %swap3A_146 = vector.shape_cast %reshape3A_138 : vector<8x8x128xf32> to vector<1x8x1x8x128xf32>
    tpu.vector_store %arg4[%swap3A_139, %swap3A_140, %swap3A_141, %swap3A_142, %swap3A_143], %swap3A_146 {strides = array<i32>} : memref<8x8x1x8x128xf32, #tpu.memory_space<vmem>>, vector<1x8x1x8x128xf32>,
    %get3A_147 = arith.constant 0 : index
    %get3A_148 = arith.constant 512 : index
    %get3A_149 = arith.constant 0 : index
    %get3A_150 = vector.load %arg1[%get3A_147, %get3A_148, %get3A_149] : memref<1x1024x64xf32, #tpu.memory_space<vmem>>, vector<1x128x64xf32>
    %get3A_151 = vector.shape_cast %get3A_150 : vector<1x128x64xf32> to vector<128x64xf32>
    %get3A_152 = arith.constant 0 : index
    %get3A_153 = arith.constant 4 : index
    %get3A_154 = arith.constant 0 : index
    %get3A_155 = vector.load %arg3[%get3A_152, %get3A_153, %get3A_154] : memref<1x8x128xi32, #tpu.memory_space<vmem>>, vector<1x1x128xi32>
    %get3A_156 = vector.shape_cast %get3A_155 : vector<1x1x128xi32> to vector<128xi32>
    %eq3A_157 = arith.constant 0 : i32
    %eq3A_158 = vector.broadcast %eq3A_157 : i32 to vector<128xi32>
    %eq3A_159 = arith.cmpi eq, %get3A_156, %eq3A_158 : vector<128xi32>
    %convert_element_type3A_160 = arith.extui %eq3A_159 : vector<128xi1> to vector<128xi32>
    %convert_element_type3A_161 = arith.sitofp %convert_element_type3A_160 : vector<128xi32> to vector<128xf32>
    %broadcast_in_dim3A_162 = vector.shape_cast %convert_element_type3A_161 : vector<128xf32> to vector<128x1xf32>
    %mul3A_163 = vector.broadcast %broadcast_in_dim3A_162 : vector<128x1xf32> to vector<128x64xf32>
    %mul3A_164 = arith.mulf %get3A_151, %mul3A_163 : vector<128x64xf32>
    %dot_general3A_165 = arith.constant dense<0.000000e+00> : vector<64x128xf32>
    %dot_general3A_166 = tpu.matmul %mul3A_164, %convert_element_type3A_1, %dot_general3A_165 {dimension_numbers = #tpu.dot_dimension_numbers<[0], [0], [1], [1], [0, 1, 1, 1], [], []>, transpose_lhs_hint = false} : vector<128x64xf32>, vector<128x128xf32>, vector<64x128xf32> -> vector<64x128xf32>
    %get3A_167 = arith.constant 4 : index
    %get3A_168 = arith.constant 0 : index
    %get3A_169 = arith.constant 0 : index
    %get3A_170 = arith.constant 0 : index
    %get3A_171 = arith.constant 0 : index
    %get3A_172 = vector.load %arg2[%get3A_167, %get3A_168, %get3A_169, %get3A_170, %get3A_171] : memref<8x8x1x8x128xf32, #tpu.memory_space<vmem>>, vector<1x8x1x8x128xf32>
    %get3A_173 = vector.shape_cast %get3A_172 : vector<1x8x1x8x128xf32> to vector<8x8x128xf32>
    %reshape3A_174 = vector.shape_cast %get3A_173 : vector<8x8x128xf32> to vector<64x128xf32>
    %add3A_175 = arith.addf %reshape3A_174, %dot_general3A_166 : vector<64x128xf32>
    %reshape3A_176 = vector.shape_cast %add3A_175 : vector<64x128xf32> to vector<8x8x128xf32>
    %swap3A_177 = arith.constant 4 : index
    %swap3A_178 = arith.constant 0 : index
    %swap3A_179 = arith.constant 0 : index
    %swap3A_180 = arith.constant 0 : index
    %swap3A_181 = arith.constant 0 : index
    %swap3A_182 = vector.load %arg4[%swap3A_177, %swap3A_178, %swap3A_179, %swap3A_180, %swap3A_181] : memref<8x8x1x8x128xf32, #tpu.memory_space<vmem>>, vector<1x8x1x8x128xf32>
    %swap3A_183 = vector.shape_cast %swap3A_182 : vector<1x8x1x8x128xf32> to vector<8x8x128xf32>
    %swap3A_184 = vector.shape_cast %reshape3A_176 : vector<8x8x128xf32> to vector<1x8x1x8x128xf32>
    tpu.vector_store %arg4[%swap3A_177, %swap3A_178, %swap3A_179, %swap3A_180, %swap3A_181], %swap3A_184 {strides = array<i32>} : memref<8x8x1x8x128xf32, #tpu.memory_space<vmem>>, vector<1x8x1x8x128xf32>,
    %get3A_185 = arith.constant 0 : index
    %get3A_186 = arith.constant 640 : index
    %get3A_187 = arith.constant 0 : index
    %get3A_188 = vector.load %arg1[%get3A_185, %get3A_186, %get3A_187] : memref<1x1024x64xf32, #tpu.memory_space<vmem>>, vector<1x128x64xf32>
    %get3A_189 = vector.shape_cast %get3A_188 : vector<1x128x64xf32> to vector<128x64xf32>
    %get3A_190 = arith.constant 0 : index
    %get3A_191 = arith.constant 5 : index
    %get3A_192 = arith.constant 0 : index
    %get3A_193 = vector.load %arg3[%get3A_190, %get3A_191, %get3A_192] : memref<1x8x128xi32, #tpu.memory_space<vmem>>, vector<1x1x128xi32>
    %get3A_194 = vector.shape_cast %get3A_193 : vector<1x1x128xi32> to vector<128xi32>
    %eq3A_195 = arith.constant 0 : i32
    %eq3A_196 = vector.broadcast %eq3A_195 : i32 to vector<128xi32>
    %eq3A_197 = arith.cmpi eq, %get3A_194, %eq3A_196 : vector<128xi32>
    %convert_element_type3A_198 = arith.extui %eq3A_197 : vector<128xi1> to vector<128xi32>
    %convert_element_type3A_199 = arith.sitofp %convert_element_type3A_198 : vector<128xi32> to vector<128xf32>
    %broadcast_in_dim3A_200 = vector.shape_cast %convert_element_type3A_199 : vector<128xf32> to vector<128x1xf32>
    %mul3A_201 = vector.broadcast %broadcast_in_dim3A_200 : vector<128x1xf32> to vector<128x64xf32>
    %mul3A_202 = arith.mulf %get3A_189, %mul3A_201 : vector<128x64xf32>
    %dot_general3A_203 = arith.constant dense<0.000000e+00> : vector<64x128xf32>
    %dot_general3A_204 = tpu.matmul %mul3A_202, %convert_element_type3A_1, %dot_general3A_203 {dimension_numbers = #tpu.dot_dimension_numbers<[0], [0], [1], [1], [0, 1, 1, 1], [], []>, transpose_lhs_hint = false} : vector<128x64xf32>, vector<128x128xf32>, vector<64x128xf32> -> vector<64x128xf32>
    %get3A_205 = arith.constant 5 : index
    %get3A_206 = arith.constant 0 : index
    %get3A_207 = arith.constant 0 : index
    %get3A_208 = arith.constant 0 : index
    %get3A_209 = arith.constant 0 : index
    %get3A_210 = vector.load %arg2[%get3A_205, %get3A_206, %get3A_207, %get3A_208, %get3A_209] : memref<8x8x1x8x128xf32, #tpu.memory_space<vmem>>, vector<1x8x1x8x128xf32>
    %get3A_211 = vector.shape_cast %get3A_210 : vector<1x8x1x8x128xf32> to vector<8x8x128xf32>
    %reshape3A_212 = vector.shape_cast %get3A_211 : vector<8x8x128xf32> to vector<64x128xf32>
    %add3A_213 = arith.addf %reshape3A_212, %dot_general3A_204 : vector<64x128xf32>
    %reshape3A_214 = vector.shape_cast %add3A_213 : vector<64x128xf32> to vector<8x8x128xf32>
    %swap3A_215 = arith.constant 5 : index
    %swap3A_216 = arith.constant 0 : index
    %swap3A_217 = arith.constant 0 : index
    %swap3A_218 = arith.constant 0 : index
    %swap3A_219 = arith.constant 0 : index
    %swap3A_220 = vector.load %arg4[%swap3A_215, %swap3A_216, %swap3A_217, %swap3A_218, %swap3A_219] : memref<8x8x1x8x128xf32, #tpu.memory_space<vmem>>, vector<1x8x1x8x128xf32>
    %swap3A_221 = vector.shape_cast %swap3A_220 : vector<1x8x1x8x128xf32> to vector<8x8x128xf32>
    %swap3A_222 = vector.shape_cast %reshape3A_214 : vector<8x8x128xf32> to vector<1x8x1x8x128xf32>
    tpu.vector_store %arg4[%swap3A_215, %swap3A_216, %swap3A_217, %swap3A_218, %swap3A_219], %swap3A_222 {strides = array<i32>} : memref<8x8x1x8x128xf32, #tpu.memory_space<vmem>>, vector<1x8x1x8x128xf32>,
    %get3A_223 = arith.constant 0 : index
    %get3A_224 = arith.constant 768 : index
    %get3A_225 = arith.constant 0 : index
    %get3A_226 = vector.load %arg1[%get3A_223, %get3A_224, %get3A_225] : memref<1x1024x64xf32, #tpu.memory_space<vmem>>, vector<1x128x64xf32>
    %get3A_227 = vector.shape_cast %get3A_226 : vector<1x128x64xf32> to vector<128x64xf32>
    %get3A_228 = arith.constant 0 : index
    %get3A_229 = arith.constant 6 : index
    %get3A_230 = arith.constant 0 : index
    %get3A_231 = vector.load %arg3[%get3A_228, %get3A_229, %get3A_230] : memref<1x8x128xi32, #tpu.memory_space<vmem>>, vector<1x1x128xi32>
    %get3A_232 = vector.shape_cast %get3A_231 : vector<1x1x128xi32> to vector<128xi32>
    %eq3A_233 = arith.constant 0 : i32
    %eq3A_234 = vector.broadcast %eq3A_233 : i32 to vector<128xi32>
    %eq3A_235 = arith.cmpi eq, %get3A_232, %eq3A_234 : vector<128xi32>
    %convert_element_type3A_236 = arith.extui %eq3A_235 : vector<128xi1> to vector<128xi32>
    %convert_element_type3A_237 = arith.sitofp %convert_element_type3A_236 : vector<128xi32> to vector<128xf32>
    %broadcast_in_dim3A_238 = vector.shape_cast %convert_element_type3A_237 : vector<128xf32> to vector<128x1xf32>
    %mul3A_239 = vector.broadcast %broadcast_in_dim3A_238 : vector<128x1xf32> to vector<128x64xf32>
    %mul3A_240 = arith.mulf %get3A_227, %mul3A_239 : vector<128x64xf32>
    %dot_general3A_241 = arith.constant dense<0.000000e+00> : vector<64x128xf32>
    %dot_general3A_242 = tpu.matmul %mul3A_240, %convert_element_type3A_1, %dot_general3A_241 {dimension_numbers = #tpu.dot_dimension_numbers<[0], [0], [1], [1], [0, 1, 1, 1], [], []>, transpose_lhs_hint = false} : vector<128x64xf32>, vector<128x128xf32>, vector<64x128xf32> -> vector<64x128xf32>
    %get3A_243 = arith.constant 6 : index
    %get3A_244 = arith.constant 0 : index
    %get3A_245 = arith.constant 0 : index
    %get3A_246 = arith.constant 0 : index
    %get3A_247 = arith.constant 0 : index
    %get3A_248 = vector.load %arg2[%get3A_243, %get3A_244, %get3A_245, %get3A_246, %get3A_247] : memref<8x8x1x8x128xf32, #tpu.memory_space<vmem>>, vector<1x8x1x8x128xf32>
    %get3A_249 = vector.shape_cast %get3A_248 : vector<1x8x1x8x128xf32> to vector<8x8x128xf32>
    %reshape3A_250 = vector.shape_cast %get3A_249 : vector<8x8x128xf32> to vector<64x128xf32>
    %add3A_251 = arith.addf %reshape3A_250, %dot_general3A_242 : vector<64x128xf32>
    %reshape3A_252 = vector.shape_cast %add3A_251 : vector<64x128xf32> to vector<8x8x128xf32>
    %swap3A_253 = arith.constant 6 : index
    %swap3A_254 = arith.constant 0 : index
    %swap3A_255 = arith.constant 0 : index
    %swap3A_256 = arith.constant 0 : index
    %swap3A_257 = arith.constant 0 : index
    %swap3A_258 = vector.load %arg4[%swap3A_253, %swap3A_254, %swap3A_255, %swap3A_256, %swap3A_257] : memref<8x8x1x8x128xf32, #tpu.memory_space<vmem>>, vector<1x8x1x8x128xf32>
    %swap3A_259 = vector.shape_cast %swap3A_258 : vector<1x8x1x8x128xf32> to vector<8x8x128xf32>
    %swap3A_260 = vector.shape_cast %reshape3A_252 : vector<8x8x128xf32> to vector<1x8x1x8x128xf32>
    tpu.vector_store %arg4[%swap3A_253, %swap3A_254, %swap3A_255, %swap3A_256, %swap3A_257], %swap3A_260 {strides = array<i32>} : memref<8x8x1x8x128xf32, #tpu.memory_space<vmem>>, vector<1x8x1x8x128xf32>,
    %get3A_261 = arith.constant 0 : index
    %get3A_262 = arith.constant 896 : index
    %get3A_263 = arith.constant 0 : index
    %get3A_264 = vector.load %arg1[%get3A_261, %get3A_262, %get3A_263] : memref<1x1024x64xf32, #tpu.memory_space<vmem>>, vector<1x128x64xf32>
    %get3A_265 = vector.shape_cast %get3A_264 : vector<1x128x64xf32> to vector<128x64xf32>
    %get3A_266 = arith.constant 0 : index
    %get3A_267 = arith.constant 7 : index
    %get3A_268 = arith.constant 0 : index
    %get3A_269 = vector.load %arg3[%get3A_266, %get3A_267, %get3A_268] : memref<1x8x128xi32, #tpu.memory_space<vmem>>, vector<1x1x128xi32>
    %get3A_270 = vector.shape_cast %get3A_269 : vector<1x1x128xi32> to vector<128xi32>
    %eq3A_271 = arith.constant 0 : i32
    %eq3A_272 = vector.broadcast %eq3A_271 : i32 to vector<128xi32>
    %eq3A_273 = arith.cmpi eq, %get3A_270, %eq3A_272 : vector<128xi32>
    %convert_element_type3A_274 = arith.extui %eq3A_273 : vector<128xi1> to vector<128xi32>
    %convert_element_type3A_275 = arith.sitofp %convert_element_type3A_274 : vector<128xi32> to vector<128xf32>
    %broadcast_in_dim3A_276 = vector.shape_cast %convert_element_type3A_275 : vector<128xf32> to vector<128x1xf32>
    %mul3A_277 = vector.broadcast %broadcast_in_dim3A_276 : vector<128x1xf32> to vector<128x64xf32>
    %mul3A_278 = arith.mulf %get3A_265, %mul3A_277 : vector<128x64xf32>
    %dot_general3A_279 = arith.constant dense<0.000000e+00> : vector<64x128xf32>
    %dot_general3A_280 = tpu.matmul %mul3A_278, %convert_element_type3A_1, %dot_general3A_279 {dimension_numbers = #tpu.dot_dimension_numbers<[0], [0], [1], [1], [0, 1, 1, 1], [], []>, transpose_lhs_hint = false} : vector<128x64xf32>, vector<128x128xf32>, vector<64x128xf32> -> vector<64x128xf32>
    %get3A_281 = arith.constant 7 : index
    %get3A_282 = arith.constant 0 : index
    %get3A_283 = arith.constant 0 : index
    %get3A_284 = arith.constant 0 : index
    %get3A_285 = arith.constant 0 : index
    %get3A_286 = vector.load %arg2[%get3A_281, %get3A_282, %get3A_283, %get3A_284, %get3A_285] : memref<8x8x1x8x128xf32, #tpu.memory_space<vmem>>, vector<1x8x1x8x128xf32>
    %get3A_287 = vector.shape_cast %get3A_286 : vector<1x8x1x8x128xf32> to vector<8x8x128xf32>
    %reshape3A_288 = vector.shape_cast %get3A_287 : vector<8x8x128xf32> to vector<64x128xf32>
    %add3A_289 = arith.addf %reshape3A_288, %dot_general3A_280 : vector<64x128xf32>
    %reshape3A_290 = vector.shape_cast %add3A_289 : vector<64x128xf32> to vector<8x8x128xf32>
    %swap3A_291 = arith.constant 7 : index
    %swap3A_292 = arith.constant 0 : index
    %swap3A_293 = arith.constant 0 : index
    %swap3A_294 = arith.constant 0 : index
    %swap3A_295 = arith.constant 0 : index
    %swap3A_296 = vector.load %arg4[%swap3A_291, %swap3A_292, %swap3A_293, %swap3A_294, %swap3A_295] : memref<8x8x1x8x128xf32, #tpu.memory_space<vmem>>, vector<1x8x1x8x128xf32>
    %swap3A_297 = vector.shape_cast %swap3A_296 : vector<1x8x1x8x128xf32> to vector<8x8x128xf32>
    %swap3A_298 = vector.shape_cast %reshape3A_290 : vector<8x8x128xf32> to vector<1x8x1x8x128xf32>
    tpu.vector_store %arg4[%swap3A_291, %swap3A_292, %swap3A_293, %swap3A_294, %swap3A_295], %swap3A_298 {strides = array<i32>} : memref<8x8x1x8x128xf32, #tpu.memory_space<vmem>>, vector<1x8x1x8x128xf32>,
    return
  }
  func.func @transform_0(%arg0: i32) -> (i32, i32, i32) {
    %c0_i32 = arith.constant 0 : i32
    %c0_i32_0 = arith.constant 0 : i32
    %c0_i32_1 = arith.constant 0 : i32
    return %arg0, %c0_i32, %c0_i32_0 : i32, i32, i32
  }
  func.func @transform_1(%arg0: i32) -> (i32, i32, i32, i32, i32) {
    %jit3A = arith.constant 32 : i32
    %div3A = arith.divsi %arg0, %jit3A : i32
    %sign3A = arith.constant 0 : i32
    %sign3A_0 = arith.cmpi sgt, %arg0, %sign3A : i32
    %sign3A_1 = arith.extui %sign3A_0 : i1 to i32
    %sign3A_2 = arith.constant 0 : i32
    %sign3A_3 = arith.cmpi slt, %arg0, %sign3A_2 : i32
    %sign3A_4 = arith.extui %sign3A_3 : i1 to i32
    %sign3A_5 = arith.subi %sign3A_1, %sign3A_4 : i32
    %sign3A_6 = arith.constant 0 : i32
    %sign3A_7 = arith.cmpi sgt, %jit3A, %sign3A_6 : i32
    %sign3A_8 = arith.extui %sign3A_7 : i1 to i32
    %sign3A_9 = arith.constant 0 : i32
    %sign3A_10 = arith.cmpi slt, %jit3A, %sign3A_9 : i32
    %sign3A_11 = arith.extui %sign3A_10 : i1 to i32
    %sign3A_12 = arith.subi %sign3A_8, %sign3A_11 : i32
    %ne3A = arith.cmpi ne, %sign3A_5, %sign3A_12 : i32
    %rem3A = arith.remsi %arg0, %jit3A : i32
    %ne3A_13 = arith.constant 0 : i32
    %ne3A_14 = arith.cmpi ne, %rem3A, %ne3A_13 : i32
    %and3A = arith.andi %ne3A, %ne3A_14 : i1
    %sub3A = arith.constant 1 : i32
    %sub3A_15 = arith.subi %div3A, %sub3A : i32
    %select_n3A = arith.select %and3A, %sub3A_15, %div3A : i32
    %jit3A_16 = arith.constant 32 : i32
    %eq3A = arith.constant 0 : i32
    %eq3A_17 = arith.cmpi eq, %jit3A_16, %eq3A : i32
    %jit3A_18 = arith.constant 1 : i32
    %select_n3A_19 = arith.select %eq3A_17, %jit3A_18, %jit3A_16 : i32
    %rem3A_20 = arith.remsi %arg0, %select_n3A_19 : i32
    %ne3A_21 = arith.constant 0 : i32
    %ne3A_22 = arith.cmpi ne, %rem3A_20, %ne3A_21 : i32
    %lt3A = arith.constant 0 : i32
    %lt3A_23 = arith.cmpi slt, %rem3A_20, %lt3A : i32
    %lt3A_24 = arith.constant 0 : i32
    %lt3A_25 = arith.cmpi slt, %select_n3A_19, %lt3A_24 : i32
    %ne3A_26 = arith.xori %lt3A_23, %lt3A_25 : i1
    %and3A_27 = arith.andi %ne3A_26, %ne3A_22 : i1
    %add3A = arith.addi %rem3A_20, %select_n3A_19 : i32
    %select_n3A_28 = arith.select %and3A_27, %add3A, %rem3A_20 : i32
    %c0_i32 = arith.constant 0 : i32
    %c0_i32_29 = arith.constant 0 : i32
    %c0_i32_30 = arith.constant 0 : i32
    %c0_i32_31 = arith.constant 0 : i32
    return %select_n3A, %c0_i32, %select_n3A_28, %c0_i32_29, %c0_i32_30 : i32, i32, i32, i32, i32
  }
  func.func @transform_2(%arg0: i32) -> (i32, i32, i32) {
    %c0_i32 = arith.constant 0 : i32
    %c0_i32_0 = arith.constant 0 : i32
    %c0_i32_1 = arith.constant 0 : i32
    return %arg0, %c0_i32, %c0_i32_0 : i32, i32, i32
  }
  func.func @transform_3(%arg0: i32) -> (i32, i32, i32, i32, i32) {
    %jit3A = arith.constant 32 : i32
    %div3A = arith.divsi %arg0, %jit3A : i32
    %sign3A = arith.constant 0 : i32
    %sign3A_0 = arith.cmpi sgt, %arg0, %sign3A : i32
    %sign3A_1 = arith.extui %sign3A_0 : i1 to i32
    %sign3A_2 = arith.constant 0 : i32
    %sign3A_3 = arith.cmpi slt, %arg0, %sign3A_2 : i32
    %sign3A_4 = arith.extui %sign3A_3 : i1 to i32
    %sign3A_5 = arith.subi %sign3A_1, %sign3A_4 : i32
    %sign3A_6 = arith.constant 0 : i32
    %sign3A_7 = arith.cmpi sgt, %jit3A, %sign3A_6 : i32
    %sign3A_8 = arith.extui %sign3A_7 : i1 to i32
    %sign3A_9 = arith.constant 0 : i32
    %sign3A_10 = arith.cmpi slt, %jit3A, %sign3A_9 : i32
    %sign3A_11 = arith.extui %sign3A_10 : i1 to i32
    %sign3A_12 = arith.subi %sign3A_8, %sign3A_11 : i32
    %ne3A = arith.cmpi ne, %sign3A_5, %sign3A_12 : i32
    %rem3A = arith.remsi %arg0, %jit3A : i32
    %ne3A_13 = arith.constant 0 : i32
    %ne3A_14 = arith.cmpi ne, %rem3A, %ne3A_13 : i32
    %and3A = arith.andi %ne3A, %ne3A_14 : i1
    %sub3A = arith.constant 1 : i32
    %sub3A_15 = arith.subi %div3A, %sub3A : i32
    %select_n3A = arith.select %and3A, %sub3A_15, %div3A : i32
    %jit3A_16 = arith.constant 32 : i32
    %eq3A = arith.constant 0 : i32
    %eq3A_17 = arith.cmpi eq, %jit3A_16, %eq3A : i32
    %jit3A_18 = arith.constant 1 : i32
    %select_n3A_19 = arith.select %eq3A_17, %jit3A_18, %jit3A_16 : i32
    %rem3A_20 = arith.remsi %arg0, %select_n3A_19 : i32
    %ne3A_21 = arith.constant 0 : i32
    %ne3A_22 = arith.cmpi ne, %rem3A_20, %ne3A_21 : i32
    %lt3A = arith.constant 0 : i32
    %lt3A_23 = arith.cmpi slt, %rem3A_20, %lt3A : i32
    %lt3A_24 = arith.constant 0 : i32
    %lt3A_25 = arith.cmpi slt, %select_n3A_19, %lt3A_24 : i32
    %ne3A_26 = arith.xori %lt3A_23, %lt3A_25 : i1
    %and3A_27 = arith.andi %ne3A_26, %ne3A_22 : i1
    %add3A = arith.addi %rem3A_20, %select_n3A_19 : i32
    %select_n3A_28 = arith.select %and3A_27, %add3A, %rem3A_20 : i32
    %c0_i32 = arith.constant 0 : i32
    %c0_i32_29 = arith.constant 0 : i32
    %c0_i32_30 = arith.constant 0 : i32
    %c0_i32_31 = arith.constant 0 : i32
    return %select_n3A, %c0_i32, %select_n3A_28, %c0_i32_29, %c0_i32_30 : i32, i32, i32, i32, i32
  }
}

</mosaic_0001>

<sc_bundles>
// kernel: kernel.4.cloned.1.call-start
scs
__scs_entry_jumppad:
0x0: {  	(pc) =	sbr.rel $0x88, $3  }
0x1: {  	(tag) =	ssettag $0x0;
	lr =	simm.s32 $0x1  }
0x2: {  	[smem:$0x3F9D] =	sst lr;
	_ =	strace $0xD0000000  }
0x3: {  	_ = 	snop  }
0x4: {  	_ = 	snop  }
0x5: {  	_ = 	snop  }
0x6: {  	_ = 	snop  }
0x7: {  	_ = 	snop  }
__scs_overlays_trampoline_lowered:
0x8: {  	[smem:$0x3FAC] =	sst s0  }
0x9: {  	[smem:$0x3FAD] =	sst s1  }
0xa: {  	[smem:$0x3FAE] =	sst s2  }
0xb: {  	[smem:$0x3FAF] =	sst s3  }
0xc: {  	[smem:$0x3FB0] =	sst s4  }
0xd: {  	[smem:$0x3FB1] =	sst s5  }
0xe: {  	[smem:$0x3FB2] =	sst s6  }
0xf: {  	[smem:$0x3FB3] =	sst s7  }
0x10: {  	[smem:$0x3FB4] =	sst s8  }
0x11: {  	[smem:$0x3FB5] =	sst s9;
	s0 =	simm.s32 @!p0 $0x0  }
0x12: {  	s1 =	sld [smem:$0x3F9B];
	s0 =	simm.s32 @p0 $0x1  }
0x13: {  	[smem:$0x3FB6] =	sst s0;
	s0 =	simm.s32 @!p1 $0x0  }
0x14: {  	s2 =	sld [smem:$0x3F9A];
	s0 =	simm.s32 @p1 $0x1  }
0x15: {  	[smem:$0x3FB7] =	sst s0;
	s0 =	simm.s32 @!p2 $0x0  }
0x16: {  	s3 =	sld [smem:$0x3FDB];
	s0 =	simm.s32 @p2 $0x1  }
0x17: {  	s4 =	simm.s32 $0x1BF5;
	[smem:$0x3FB9] =	sst s0  }
0x18: {  	s0 =	sld [smem:$0x3F9C];
	_ =	swait.ge [sflag:s4], $0x0  }
0x19: {  	s7 =	sld [smem:$0x3F9D]  }
0x1a: {  	s8 =	sadd.s32 $0xFFFFE003, lr  }
0x1b: {  	s9 =	sadd.s32 $0xFFFFFEF7, lr;
	s5 =	simm.s32 $0xFFFFFFFF;
	p2 =	slt.u32 s8, $0xFFFFF086  }
0x1c: {  	p1 =	slt.u32 s9, $0xF7A;
	s5 =	simm.s32 @!p2 $0x0  }
0x1d: {  	s5 =	simm.s32 @p1 $0x1;
	p0 =	seq.s32 s7, s2  }
0x1e: {  	s7 =	smul.u32 @!p0 $0xF7A, s2;
	p2 =	seq.s32 @!p0 s5, $0x0  }
0x1f: {  	s9 =	smul.u32 $0xF7A, s1;
	s8 =	simm.s32 @!p0 $0x1BF5;
	p2 =	por !p2, p0  }
0x20: {  	[sflag:s8] =	ssyncset.s32 @!p0 $0xFFFFF086;
	s6 =	sadd.s32 @!p0 s3, s7;
	s7 =	simm.s32 @!p0 $0x108  }
0x21: {  	s3 =	sadd.s32 s3, s9;
	s6 =	sadd.s32 @!p0 $0x88, s6;
	s7 =	simm.s32 @p2 $0x1082  }
0x22: {  	[simem:s7], [sflag:s8] =	dma.local @!p0 [hbm:s6], $0xF7A  }
0x23: {  	s9 =	sor.u32 $0xD0000000, s2;
	s6 =	simm.s32 $0x108;
	_ =	swait.ge @!p0 [sflag:s8], $0x0  }
0x24: {  	s3 =	sadd.s32 $0x88, s3;
	s6 =	simm.s32 @!p1 $0x1082;
	[sflag:s4] =	ssyncset.s32 $0xFFFFF086  }
0x25: {  	[simem:s6], [sflag:s4] =	dma.local [hbm:s3], $0xF7A  }
0x26: {  	[smem:$0x3F9D] =	sst s1;
	(tag) =	ssettag s2;
	_ =	strace s9  }
0x27: {  	s1 =	sld [smem:$0x3FAD]  }
0x28: {  	s2 =	sld [smem:$0x3FAE]  }
0x29: {  	s4 =	sld [smem:$0x3FB0]  }
0x2a: {  	p0 =	seq.s32 s5, $0x0;
	s5 =	sld [smem:$0x3FB1]  }
0x2b: {  	s6 =	sld [smem:$0x3FB2]  }
0x2c: {  	s7 =	sld [smem:$0x3FB3]  }
0x2d: {  	s3 =	simm.s32 $0x108;
	s8 =	sld [smem:$0x3FB4]  }
0x2e: {  	s3 =	simm.s32 @!p0 $0x1082;
	s9 =	sld [smem:$0x3FB5]  }
0x2f: {  	lr =	sadd.s32 s0, s3;
	s0 =	sld [smem:$0x3FAC]  }
0x30: {  	s3 =	sld [smem:$0x3FAF]  }
0x31: {  	[smem:$0x3FB8] =	sst s10  }
0x32: {  	s10 =	sld [smem:$0x3FB6];
	_ =	sdelay $0x3  }
0x33: {  	p0 =	seq.s32 s10, $0x1;
	s10 =	sld [smem:$0x3FB8];
	_ =	sdelay $0x3  }
0x34: {  	[smem:$0x3FB8] =	sst s10  }
0x35: {  	s10 =	sld [smem:$0x3FB7];
	_ =	sdelay $0x3  }
0x36: {  	p1 =	seq.s32 s10, $0x1;
	s10 =	sld [smem:$0x3FB8];
	_ =	sdelay $0x3  }
0x37: {  	[smem:$0x3FB8] =	sst s10  }
0x38: {  	s10 =	sld [smem:$0x3FB9]  }
0x39: {  	_ = 	snop;
	(pc) =	sbr.ind lr, $3  }
0x3a: {  	_ = 	snop  }
0x3b: {  	_ = 	snop  }
0x3c: {  	p2 =	seq.s32 s10, $0x1;
	s10 =	sld [smem:$0x3FB8]  }
0x3d: {  	_ =	shalt  }
0x3e: {  	_ =	shalt  }
0x3f: {  	_ =	shalt  }
0x40: {  	_ =	shalt  }
0x41: {  	_ =	shalt  }
0x42: {  	_ =	shalt  }
0x43: {  	_ =	shalt  }
0x44: {  	_ =	shalt  }
0x45: {  	_ =	shalt  }
0x46: {  	_ =	shalt  }
0x47: {  	_ =	shalt  }
0x48: {  	_ =	shalt  }
0x49: {  	_ =	shalt  }
0x4a: {  	_ =	shalt  }
0x4b: {  	_ =	shalt  }
0x4c: {  	_ =	shalt  }
0x4d: {  	_ =	shalt  }
0x4e: {  	_ =	shalt  }
0x4f: {  	_ =	shalt  }
0x50: {  	_ =	shalt  }
0x51: {  	_ =	shalt  }
0x52: {  	_ =	shalt  }
0x53: {  	_ =	shalt  }
0x54: {  	_ =	shalt  }
0x55: {  	_ =	shalt  }
0x56: {  	_ =	shalt  }
0x57: {  	_ =	shalt  }
0x58: {  	_ =	shalt  }
0x59: {  	_ =	shalt  }
0x5a: {  	_ =	shalt  }
0x5b: {  	_ =	shalt  }
0x5c: {  	_ =	shalt  }
0x5d: {  	_ =	shalt  }
0x5e: {  	_ =	shalt  }
0x5f: {  	_ =	shalt  }
0x60: {  	_ =	shalt  }
0x61: {  	_ =	shalt  }
0x62: {  	_ =	shalt  }
0x63: {  	_ =	shalt  }
0x64: {  	_ =	shalt  }
0x65: {  	_ =	shalt  }
0x66: {  	_ =	shalt  }
0x67: {  	_ =	shalt  }
0x68: {  	_ =	shalt  }
0x69: {  	_ =	shalt  }
0x6a: {  	_ =	shalt  }
0x6b: {  	_ =	shalt  }
0x6c: {  	_ =	shalt  }
0x6d: {  	_ =	shalt  }
0x6e: {  	_ =	shalt  }
0x6f: {  	_ =	shalt  }
0x70: {  	_ =	shalt  }
0x71: {  	_ =	shalt  }
0x72: {  	_ =	shalt  }
0x73: {  	_ =	shalt  }
0x74: {  	_ =	shalt  }
0x75: {  	_ =	shalt  }
0x76: {  	_ =	shalt  }
0x77: {  	_ =	shalt  }
0x78: {  	_ =	shalt  }
0x79: {  	_ =	shalt  }
0x7a: {  	_ =	shalt  }
0x7b: {  	_ =	shalt  }
0x7c: {  	_ =	shalt  }
0x7d: {  	_ =	shalt  }
0x7e: {  	_ =	shalt  }
0x7f: {  	_ =	shalt  }
0x80: {  	_ =	shalt  }
0x81: {  	_ =	shalt  }
0x82: {  	_ =	shalt  }
0x83: {  	_ =	shalt  }
0x84: {  	_ =	shalt  }
0x85: {  	_ =	shalt  }
0x86: {  	_ =	shalt  }
0x87: {  	_ =	shalt  }
.Lfunc_end0:
.L_simem_size_0:
called_computation_lowered:
.L_overlay_start_0:
0x88: {  	s2 =	sld [smem:$0x3FD9]  }
0x89: {  	s3 =	sld [smem:$0x3FFE];
	_ =	sdelay $0x1  }
0x8a: {  	s1 =	srdreg.scid  }
0x8b: {  	s0 =	sand.u32 $0x1, s1  }
0x8c: {  	s17 =	sshll.u32 s0, $0xA;
	s2 =	sadd.s32 s3, s2  }
0x8d: {  	s2 =	sadd.s32 s2, s17  }
0x8e: {  	[smem:$0x3FC4] =	sst s2  }
0x8f: {  	_ = 	snop  }
0x90: {  	s2 =	sld [smem:$0x3FC8]  }
0x91: {  	s18 =	sld [smem:$0x3FD0];
	(tm) =	ssettm $0x1  }
0x92: {  	s4 =	sld [smem:$0x3FFB];
	_ =	sdelay $0x3  }
0x93: {  	_ =	strace s4  }
0x94: {  	s4 =	sld [smem:$0x3FFC];
	_ =	sdelay $0x3  }
0x95: {  	_ =	strace s4  }
0x96: {  	s4 =	sld [smem:$0x3FFD];
	_ =	sdelay $0x3  }
0x97: {  	_ =	strace s4  }
0x98: {  	_ =	strace $0x8FFFFFFF  }
0x99: {  	s19 =	sld [smem:$0x3FDB];
	_ =	sdelay $0x1  }
0x9a: {  	s5 =	simm.s32 $_scs_section_size  }
0x9b: {  	s6 =	simm.s32 $_size__tile_overlayer_lowered;
	s7 =	simm.s32 $_tile_overlayer_lowered  }
0x9c: {  	s22 =	simm.s32 $0x1BFF;
	s21 =	sshll.u32 s7, $0x1;
	s4 =	sadd.s32 s5, s19  }
0x9d: {  	s8 =	simm.s32 $0x0;
	s20 =	sshll.u32 s6, $0x1;
	s6 =	sadd.s32 s21, s4  }
0x9e: {  	[timem:s8], [sflag:s22] =	dma.local [hbm:s6], s20  }
0x9f: {  	_ =	swait.ge [sflag:s22], s20  }
0xa0: {  	s5 =	ssub.s32 $0x0, s20;
	[sflag:s22] =	ssyncset.done $0x0  }
0xa1: {  	[sflag:s22] =	ssyncadd.s32 s5;
	_ =	sdelay $0x1  }
0xa2: {  	s23 =	simm.s32 $0x1B8B  }
0xa3: {  	_ =	swait.ge [sflag:s23], $0x1  }
0xa4: {  	[sflag:s23] =	ssyncset.done $0x0  }
0xa5: {  	s25 =	simm.s32 $0x1B8E;
	s24 =	sld [smem:$0x3FFE];
	[sflag:s23] =	ssyncadd.s32 $0xFFFFFFFF  }
0xa6: {  	s26 =	simm.s32 $execute0_lowered;
	[smem:$0x3FD2] =	sst s25  }
0xa7: {  	s6 =	sshll.u32 s26, $0x1;
	_ =	strace $0x80000046;
	[dreg:$0x1] =	wrdreg $0xFFFFFFFF  }
0xa8: {  	s28 =	simm.s32 $_size_execute0_lowered;
	s4 =	sadd.s32 s4, s6;
	[dreg:$0x0] =	wrdreg $0x0  }
0xa9: {  	s6 =	sshll.u32 s28, $0x1;
	[dreg:$0x2] =	wrdreg s4  }
0xaa: {  	[dreg:$0x3] =	wrdreg s6  }
0xab: {  	[dreg:$0x4] =	wrdreg $0xC0  }
0xac: {  	_ =	task [dreg:s8], $0x5FFFF  }
0xad: {  	[dreg:$0x1] =	wrdreg $0xFFFFFFFF  }
0xae: {  	[dreg:$0x0] =	wrdreg $0x60  }
0xaf: {  	[dreg:$0x2] =	wrdreg s2  }
0xb0: {  	[dreg:$0x3] =	wrdreg s24  }
0xb1: {  	[dreg:$0x4] =	wrdreg s18  }
0xb2: {  	[dreg:$0x5] =	wrdreg $0x9  }
0xb3: {  	_ =	task.clear_ibuf [dreg:s8], $0x6FFFF;
	_ =	strace $0x90000046  }
0xb4: {  	s29 =	simm.s32 $0x9;
	_ =	strace $0x80000048  }
0xb5: {  	_ =	swait.ge [sflag:s29], $0x1  }
0xb6: {  	[sflag:s29] =	ssyncadd.s32 $0xFFFFFFFF  }
0xb7: {  	_ =	strace $0x90000048  }
0xb8: {  	_ =	sfence  }
0xb9: {  	s30 =	sld [smem:$0x0];
	_ =	sdelay $0x2  }
0xba: {  	s31 =	sshll.u32 s1, $0xD;
	s1 =	sshrl.u32 s1, $0x2  }
0xbb: {  	s3 =	sand.u32 $0x4000, s31;
	s1 =	sadd.s32 s1, s30  }
0xbc: {  	s0 =	sor.u32 s3, s0;
	s1 =	sshll.u32 s1, $0x11  }
0xbd: {  	s0 =	sor.u32 s1, s0  }
0xbe: {  	s0 =	sadd.s32 $0x8F2B, s0  }
0xbf: {  	[sflag:s0] =	ssyncadd.remote.s32 $0x1  }
0xc0: {  	_ =	sfence.sel $0xFFFF  }
0xc1: {  	[dreg:$0x0] =	wrdreg $0xFFFFFFFF;
	(pc) =	sbr.abs _section_cstart, $3  }
0xc2: {  	[dreg:$0x1] =	wrdreg $0xFFFFFFFF  }
0xc3: {  	_ =	task.clear_ibuf [dreg:s8], $0x2FFFF;
	_ =	strace $0x9FFFFFFF  }
0xc4: {  	(tm) =	ssettm $0x7FFFFFFF  }
0xc5: {  	_ =	shalt  }
tec
execute0_lowered:
.L_overlay_start_1:
0x0: {  	(tag) =	ssettag $0x1  }
0x1: {  	s0 =	rddreg [dreg:$0x0]  }
0x2: {  	s1 =	srdreg.scid;
	s3 =	rddreg [dreg:$0x1]  }
0x3: {  	s11 =	stileid.u32;
	s4 =	rddreg [dreg:$0x2];
	s14 =	simm.s32 $0x100  }
0x4: {  	s15 =	simm.s32 $0x1;
	s28 =	simm.s32 $0x280;
	s29 =	simm.s32 $0xA400  }
0x5: {  	s30 =	simm.s32 $0x4;
	s31 =	simm.s32 $0xC400;
	s7 =	smul.u32 $0xC8, s11  }
0x6: {  	s1 =	sand.u32 $0x1, s1;
	s2 =	sshll.u32 s11, $0x1;
	s24 =	smul.u32 $0x64000, s11  }
0x7: {  	s3 =	sadd.s32 $0xF42C00, s3;
	s17 =	sadd.s32 $0x20, s0;
	s9 =	smul.u32 $0x64, s1  }
0x8: {  	s2 =	sor.u32 s1, s2;
	s6 =	ssub.s32 $0x2, s1;
	s1 =	smul.u32 $0x32000, s1  }
0x9: {  	s5 =	smul.u32 $0xC80, s2;
	s2 =	simm.s32 $0x0;
	s8 =	sshrl.u32 s6, $0x1  }
0xa: {  	[smem:$0x7FF] =	sst s2;
	s6 =	ssub.s32 s6, s8;
	s9 =	sadd.s32 s9, s7  }
0xb: {  	_ =	strace $0x80000047;
	s16 =	sadd.s32 s0, s5;
	s5 =	sadd.s32 s5, s17  }
0xc: {  	s18 =	smax.u32 s6, $0x1;
	s19 =	sshll.u32 s9, $0x5;
	[dreg:$0x4] =	wrdreg s16  }
0xd: {  	s10 =	sshll.u32 s9, $0xB;
	s23 =	sor.u32 $0x2, s9;
	[dreg:$0x5] =	wrdreg s5  }
0xe: {  	s9 =	sadd.s32 s24, s4;
	s24 =	simm.s32 $0x3;
	[dreg:$0x6] =	wrdreg s18  }
0xf: {  	s20 =	sadd.s32 s17, s19;
	s5 =	sadd.s32 s19, s0;
	s22 =	sadd.s32 s10, s4  }
0x10: {  	s25 =	sshrl.u32 s23, $0x1;
	s26 =	sadd.s32 s1, s9;
	s16 =	simm.s32 $0x80  }
0x11: {  	s17 =	simm.s32 $0x400;
	s19 =	simm.s32 $0x200;
	s23 =	simm.s32 $0x6400  }
0x12: {  	s1 =	simm.s32 $0x380;
	s18 =	simm.s32 $0x5;
	s7 =	sadd.s32 $0x80, s20  }
0x13: {  	s21 =	sadd.s32 $0x80, s5;
	s6 =	sadd.s32 $0x1800, s22;
	s10 =	sadd.s32 $0x60, s5  }
0x14: {  	s5 =	sshll.u32 s25, $0x6;
	[dreg:$0xa] =	wrdreg s26;
	s20 =	simm.s32 $0x2  }
0x15: {  	s22 =	simm.s32 $0x180;
	s26 =	simm.s32 $0x8400;
	[dreg:$0x7] =	wrdreg s21  }
0x16: {  	[dreg:$0x8] =	wrdreg s6;
	s6 =	sshll.u32 s25, $0xC;
	s12 =	sadd.s32 s5, s0  }
0x17: {  	s21 =	simm.s32 $0x4400;
	s25 =	simm.s32 $0x300;
	s4 =	sadd.s32 s6, s4  }
0x18: {  	s0 =	simm.s32 $0xE400;
	s6 =	simm.s32 $0x0;
	[dreg:$0x9] =	wrdreg s4  }
.LBB2_1:
0x19: {  	[dreg:$0xb] =	wrdreg s6  }
0x1a: {  	s4 =	rddreg [dreg:$0x4]  }
0x1b: {  	[tilespmem:s2], [sflag:$0x1] =	stream.linear.gather [hbm4b:s4+s2], $0x100, $0x38;
	[tilespmem:$0x10400] =	vst v63  }
0x1c: {  	s11 =	rddreg [dreg:$0x5]  }
0x1d: {  	[tilespmem:s14], [sflag:$0x2] =	stream.linear.gather [hbm4b:s11+s2], $0x100, $0x38;
	[tilespmem:$0x10400] =	vst v63  }
0x1e: {  	_ =	swait.ge [sflag:s15], $0x100  }
0x1f: {  	[sflag:s15] =	ssyncset.done $0x0  }
0x20: {  	s11 =	rddreg [dreg:$0x9];
	[sflag:s15] =	ssyncadd.s32 $0xFFFFFF00  }
0x21: {  	[tilespmem:s17], [sflag:$0x3] =	stream.indirect.gather [hbm4b:s3+s16], $0x40, s2, s16, $0xb8;
	[tilespmem:$0x10400] =	vst v63  }
0x22: {  	s13 =	simm.s32 $0x2400;
	s4 =	rddreg [dreg:$0x8]  }
0x23: {  	[tilespmem:s13], [sflag:$0x3] =	stream.indirect.gather [hbm4b:s3+s16], $0x40, s16, s16, $0xb8;
	[tilespmem:$0x10400] =	vst v63  }
0x24: {  	s5 =	simm.s32 $0x0;
	s13 =	rddreg [dreg:$0xa]  }
.LBB2_2:
0x25: {  	p0 =	seq.s32 s5, $0x0  }
0x26: {  	s6 =	simm.s32 @!p0 $0x6  }
0x27: {  	_ =	swait.ge @!p0 [sflag:s6], $0x4000  }
0x28: {  	[sflag:s6] =	ssyncset.done @!p0 $0x0  }
0x29: {  	s9 =	sadd.s32 s5, s12;
	[sflag:s6] =	ssyncadd.s32 @!p0 $0xFFFFC000  }
0x2a: {  	[tilespmem:s19], [sflag:$0x1] =	stream.linear.gather [hbm4b:s9+s2], $0x100, $0x38;
	[tilespmem:$0x10400] =	vst v63  }
0x2b: {  	_ =	swait.ge [sflag:s20], $0x100  }
0x2c: {  	[sflag:s20] =	ssyncset.done $0x0  }
0x2d: {  	[sflag:s20] =	ssyncadd.s32 $0xFFFFFF00  }
0x2e: {  	[tilespmem:s21], [sflag:$0x4] =	stream.indirect.gather [hbm4b:s3+s16], $0x40, s14, s16, $0xb8;
	[tilespmem:$0x10400] =	vst v63  }
0x2f: {  	_ = 	snop  }
0x30: {  	[tilespmem:s23], [sflag:$0x4] =	stream.indirect.gather [hbm4b:s3+s16], $0x40, s22, s16, $0xb8;
	[tilespmem:$0x10400] =	vst v63  }
0x31: {  	_ =	swait.ge [sflag:s24], $0x2000  }
0x32: {  	[sflag:s24] =	ssyncset.done $0x0  }
0x33: {  	[sflag:s24] =	ssyncadd.s32 $0xFFFFE000  }
0x34: {  	_ =	swait.ge [sflag:s24], $0x2000  }
0x35: {  	[sflag:s24] =	ssyncset.done $0x0  }
0x36: {  	s6 =	simm.s32 @!p0 $0x7;
	[sflag:s24] =	ssyncadd.s32 $0xFFFFE000  }
0x37: {  	[hbm4b:s13+s2] =	stream.linear.scatter [tilespmem:s17], [sflag:$0x5], $0x4000, $0x38;
	[tilespmem:$0x10400] =	vst v63  }
0x38: {  	_ =	swait.ge @!p0 [sflag:s6], $0x4000  }
0x39: {  	[sflag:s6] =	ssyncset.done @!p0 $0x0  }
0x3a: {  	s8 =	sadd.s32 s5, s10;
	[sflag:s6] =	ssyncadd.s32 @!p0 $0xFFFFC000  }
0x3b: {  	[tilespmem:s25], [sflag:$0x2] =	stream.linear.gather [hbm4b:s8+s2], $0x100, $0x38;
	[tilespmem:$0x10400] =	vst v63  }
0x3c: {  	_ =	swait.ge [sflag:s15], $0x100  }
0x3d: {  	[sflag:s15] =	ssyncset.done $0x0  }
0x3e: {  	[sflag:s15] =	ssyncadd.s32 $0xFFFFFF00  }
0x3f: {  	[tilespmem:s26], [sflag:$0x3] =	stream.indirect.gather [hbm4b:s3+s16], $0x40, s19, s16, $0xb8;
	[tilespmem:$0x10400] =	vst v63  }
0x40: {  	_ = 	snop  }
0x41: {  	[tilespmem:s29], [sflag:$0x3] =	stream.indirect.gather [hbm4b:s3+s16], $0x40, s28, s16, $0xb8;
	[tilespmem:$0x10400] =	vst v63  }
0x42: {  	_ =	swait.ge [sflag:s30], $0x2000  }
0x43: {  	[sflag:s30] =	ssyncset.done $0x0  }
0x44: {  	[sflag:s30] =	ssyncadd.s32 $0xFFFFE000  }
0x45: {  	_ =	swait.ge [sflag:s30], $0x2000  }
0x46: {  	[sflag:s30] =	ssyncset.done $0x0  }
0x47: {  	s9 =	sadd.s32 $0xFFFFF000, s4;
	s6 =	simm.s32 @!p0 $0x8;
	[sflag:s30] =	ssyncadd.s32 $0xFFFFE000  }
0x48: {  	[hbm4b:s9+s2] =	stream.linear.scatter [tilespmem:s21], [sflag:$0x6], $0x4000, $0x38;
	[tilespmem:$0x10400] =	vst v63  }
0x49: {  	p1 =	seq.s32 @!p0 s5, $0xC00;
	_ =	swait.ge @!p0 [sflag:s6], $0x4000  }
0x4a: {  	p1 =	por p0, !p1;
	[sflag:s6] =	ssyncset.done @!p0 $0x0  }
0x4b: {  	[sflag:s6] =	ssyncadd.s32 @!p0 $0xFFFFC000;
	s6 =	rddreg @p1 [dreg:$0x7]  }
0x4c: {  	s6 =	sadd.s32 @p1 s5, s6  }
0x4d: {  	[tilespmem:s2], [sflag:$0x1] =	stream.linear.gather @p1 [hbm4b:s6+s2], $0x100, $0x38;
	[tilespmem:$0x10400] =	vst v63  }
0x4e: {  	_ =	swait.ge [sflag:s20], $0x100  }
0x4f: {  	[sflag:s20] =	ssyncset.done $0x0  }
0x50: {  	[sflag:s20] =	ssyncadd.s32 $0xFFFFFF00  }
0x51: {  	[tilespmem:s31], [sflag:$0x4] =	stream.indirect.gather [hbm4b:s3+s16], $0x40, s25, s16, $0xb8;
	[tilespmem:$0x10400] =	vst v63  }
0x52: {  	_ = 	snop  }
0x53: {  	[tilespmem:s0], [sflag:$0x4] =	stream.indirect.gather [hbm4b:s3+s16], $0x40, s1, s16, $0xb8;
	[tilespmem:$0x10400] =	vst v63  }
0x54: {  	_ =	swait.ge [sflag:s24], $0x2000  }
0x55: {  	[sflag:s24] =	ssyncset.done $0x0  }
0x56: {  	[sflag:s24] =	ssyncadd.s32 $0xFFFFE000  }
0x57: {  	_ =	swait.ge [sflag:s24], $0x2000  }
0x58: {  	[sflag:s24] =	ssyncset.done $0x0  }
0x59: {  	p0 =	por @!p0 $0x1, $0x1;
	[sflag:s24] =	ssyncadd.s32 $0xFFFFE000  }
0x5a: {  	[hbm4b:s11+s2] =	stream.linear.scatter [tilespmem:s26], [sflag:$0x7], $0x4000, $0x38;
	[tilespmem:$0x10400] =	vst v63  }
0x5b: {  	p0 =	por @p1 $0x0, $0x0;
	_ =	swait.ge [sflag:s18], $0x4000  }
0x5c: {  	s6 =	sadd.s32 @!p0 s5, s7;
	[sflag:s18] =	ssyncset.done $0x0  }
0x5d: {  	s9 =	simm.s32 @!p0 $0x0;
	s8 =	simm.s32 @!p0 $0x100;
	[sflag:s18] =	ssyncadd.s32 $0xFFFFC000  }
0x5e: {  	[tilespmem:s8], [sflag:$0x2] =	stream.linear.gather @!p0 [hbm4b:s6+s9], $0x100, $0x38;
	[tilespmem:$0x10400] =	vst v63  }
0x5f: {  	s6 =	simm.s32 @!p0 $0x1  }
0x60: {  	_ =	swait.ge @!p0 [sflag:s6], $0x100  }
0x61: {  	[sflag:s6] =	ssyncset.done @!p0 $0x0  }
0x62: {  	s8 =	simm.s32 @!p0 $0x400;
	[sflag:s6] =	ssyncadd.s32 @!p0 $0xFFFFFF00;
	s6 =	simm.s32 @!p0 $0x80  }
0x63: {  	[tilespmem:s8], [sflag:$0x3] =	stream.indirect.gather @!p0 [hbm4b:s3+s6], $0x40, s9, s6, $0xb8;
	[tilespmem:$0x10400] =	vst v63  }
0x64: {  	s8 =	simm.s32 @!p0 $0x2400  }
0x65: {  	[tilespmem:s8], [sflag:$0x3] =	stream.indirect.gather @!p0 [hbm4b:s3+s6], $0x40, s6, s6, $0xb8;
	[tilespmem:$0x10400] =	vst v63  }
0x66: {  	_ =	swait.ge [sflag:s30], $0x2000  }
0x67: {  	s5 =	sadd.s32 $0x80, s5;
	[sflag:s30] =	ssyncset.done $0x0  }
0x68: {  	p0 =	sne.s32 s5, $0xC80;
	[sflag:s30] =	ssyncadd.s32 $0xFFFFE000  }
.Ltmp0:
0x69: {  	_ =	swait.ge [sflag:s30], $0x2000;
	(pc) =	sbr.rel @p0 .LBB2_2-.Ltmp0, $4  }
0x6a: {  	[sflag:s30] =	ssyncset.done $0x0  }
0x6b: {  	[sflag:s30] =	ssyncadd.s32 $0xFFFFE000  }
0x6c: {  	[hbm4b:s4+s2] =	stream.linear.scatter [tilespmem:s31], [sflag:$0x8], $0x4000, $0x38;
	[tilespmem:$0x10400] =	vst v63  }
0x6d: {  	s13 =	sadd.s32 $0x2000, s13;
	s11 =	sadd.s32 $0x2000, s11;
	s4 =	sadd.s32 $0x2000, s4  }
0x6e: {  	s4 =	simm.s32 $0x6  }
0x6f: {  	_ =	swait.ge [sflag:s4], $0x4000  }
0x70: {  	[sflag:s4] =	ssyncset.done $0x0  }
0x71: {  	s11 =	simm.s32 $0x7;
	[sflag:s4] =	ssyncadd.s32 $0xFFFFC000  }
0x72: {  	_ =	swait.ge [sflag:s11], $0x4000  }
0x73: {  	[sflag:s11] =	ssyncset.done $0x0  }
0x74: {  	s5 =	simm.s32 $0x8;
	[sflag:s11] =	ssyncadd.s32 $0xFFFFC000  }
0x75: {  	_ =	swait.ge [sflag:s5], $0x4000  }
0x76: {  	s6 =	rddreg [dreg:$0xb]  }
0x77: {  	s13 =	rddreg [dreg:$0x6];
	s6 =	sadd.s32 $0x1, s6  }
0x78: {  	p0 =	sne.s32 s6, s13  }
.Ltmp1:
0x79: {  	_ = 	snop;
	(pc) =	sbr.rel @p0 .LBB2_1-.Ltmp1, $3  }
0x7a: {  	_ =	sdelay $0x1  }
0x7b: {  	[sflag:s5] =	ssyncset.done $0x0  }
0x7c: {  	[sflag:s5] =	ssyncadd.s32 $0xFFFFC000  }
0x7d: {  	_ =	sfence.sel $0x180000  }
0x7e: {  	[bflag:$0x0] =	sbarrier.arrive $0xFFFF  }
0x7f: {  	_ =	strace $0x90000047  }
0x80: {  	s0 =	stileid.u32;
	[bflag:$0x2] =	sbarrier.arrive $0xFFFF  }
0x81: {  	p0 =	sne.s32 s0, $0x0;
	s0 =	rddreg [dreg:$0x3]  }
0x82: {  	s0 =	sadd.s32 @!p0 $0x100000, s0  }
0x83: {  	[sflag:s0] =	ssyncadd.tile.s32 @!p0 $0x1;
	_ =	shalt  }
.Lfunc_end2:
_tile_overlayer_lowered:
.L_overlay_start_2:
0x84: {  	(tag) =	ssettag $0x2  }
0x85: {  	s0 =	rddreg [dreg:$0x0];
	s2 =	stileid.u32  }
0x86: {  	s1 =	rddreg [dreg:$0x1];
	p0 =	sne.s32 s2, $0x0  }
0x87: {  	s3 =	rddreg [dreg:$0x2];
	[bflag:$0x3] =	sbarrier.arrive $0xFFFF;
	s2 =	simm.s32 @!p0 $0x1C09  }
0x88: {  	[timem:s3], [sflag:s2] =	dma.local @!p0 [hbm:s0], s1  }
0x89: {  	s0 =	simm.s32 @!p0 $0x9  }
0x8a: {  	_ =	swait.ge @!p0 [sflag:s0], s1  }
0x8b: {  	s1 =	ssub.s32 @!p0 $0x0, s1;
	[sflag:s0] =	ssyncset.done @!p0 $0x0  }
0x8c: {  	[sflag:s0] =	ssyncadd.s32 @!p0 s1  }
0x8d: {  	[bflag:$0x3] =	sbarrier.arrive $0xFFFF  }
0x8e: {  	_ =	shalt  }

</sc_bundles>
